<compile_context>
chip_gen: v7x
topology: tpu7x:2x2x1
jax: 0.10.2.dev20260603
libtpu: 0.0.44.dev20260713+nightly
codegen_flags: <defaults>
</compile_context>

<pallas_src>
import functools

import jax
import jax.numpy as jnp
from jax import lax
from jax.experimental import pallas as pl
from jax.experimental.pallas import tpu as pltpu
from jax.experimental.pallas import tpu_sc as plsc

VOCAB = 4100
DIM = 2048
B = 4 * 8192
NW = 32
BPW = B // NW
CH = 8
NCH = BPW // CH
NBUF = 6
NITER = NCH // NBUF
REMC = NCH - NITER * NBUF


def _gather_body(idx_hbm, table_hbm, out_hbm, idx_v, *scratch):
    rows = scratch[:NBUF]
    gsem = scratch[NBUF:2 * NBUF]
    wsem = scratch[2 * NBUF:]
    wid = lax.axis_index("s") * 2 + lax.axis_index("c")
    base = wid * BPW
    pltpu.sync_copy(idx_hbm.at[wid], idx_v)

    def fire_gather(j, b):
        return pltpu.async_copy(table_hbm.at[idx_v.at[j]], rows[b], gsem[b])

    def fire_wb(j, b):
        return pltpu.async_copy(
            rows[b], out_hbm.at[pl.ds(base + j * CH, CH)], wsem[b])

    def wait_gather(j, b):
        pltpu.make_async_copy(table_hbm.at[idx_v.at[j]], rows[b], gsem[b]).wait()

    def wait_wb(j, b):
        pltpu.make_async_copy(
            rows[b], out_hbm.at[pl.ds(base + j * CH, CH)], wsem[b]).wait()

    def body(i, _):
        j0 = i * NBUF
        for b in range(NBUF):
            @pl.when(i > 0)
            def _(b=b):
                wait_wb(j0 - NBUF + b, b)
            fire_gather(j0 + b, b)
        for b in range(NBUF):
            wait_gather(j0 + b, b)
            fire_wb(j0 + b, b)
        return 0

    lax.fori_loop(0, NITER, body, 0)
    last = {b: (NITER - 1) * NBUF + b for b in range(NBUF)}
    for b in range(REMC):
        j = NITER * NBUF + b
        wait_wb(last[b], b)
        fire_gather(j, b)
        wait_gather(j, b)
        fire_wb(j, b)
        last[b] = j
    for b in range(NBUF):
        wait_wb(last[b], b)


@jax.jit
def _run(idx, table):
    mesh = plsc.VectorSubcoreMesh(core_axis_name="c", subcore_axis_name="s")
    f = functools.partial(
        pl.kernel,
        mesh=mesh,
        out_type=jax.ShapeDtypeStruct((B, DIM), jnp.float32),
        scratch_types=(
            [pltpu.VMEM((NCH, CH), jnp.int32)]
            + [pltpu.VMEM((CH, DIM), jnp.float32) for _ in range(NBUF)]
            + [pltpu.SemaphoreType.DMA for _ in range(2 * NBUF)]
        ),
    )(_gather_body)
    return f(idx, table)


def kernel(DNA, table):
    idx = DNA.reshape(NW, NCH, CH)
    out = _run(idx, table)
    return out.reshape(4, 8192, DIM)

# --- scband reference (transcript-rebuilt; emitter-appended) ---
"""Pipeline reference for scband-dna-embedding-21397527068727 (READ-ONLY COPY).

The authoritative reference and input builder live on the scoring server;
editing this copy changes nothing except your own understanding.
"""

import jax, jax.numpy as jnp
import numpy as np

VOCAB = 4100
DIM = 2048

def setup_inputs(seed: int = 0) -> dict:
    key = jax.random.key(seed)
    k1, k2 = jax.random.split(key)
    DNA = jax.random.randint(k1, (4, 8192), 0, VOCAB, dtype=jnp.int64 if jax.config.jax_enable_x64 else jnp.int32).astype(jnp.int32)
    table = jax.random.normal(k2, (VOCAB, DIM), dtype=jnp.float32)
    return {"DNA": DNA, "table": table}

def reference(DNA, table):
    # nn.Embedding lookup: gather rows of the table
    Genome_embed = jnp.take(table, DNA, axis=0)
    return Genome_embed

if __name__ == "__main__":
    import jax
    _d = setup_inputs()
    print(jax.jit(kernel)(*tuple(_d.values())))

</pallas_src>

<mosaic_0001>
#map = affine_map<(d0, d1) -> (0, 0, 0)>
#map1 = affine_map<(d0, d1) -> (0, 0)>
module attributes {stable_mosaic.version = 14 : i64} {
  func.func @_gather_body(%arg0: i32, %arg1: i32, %arg2: memref<32x128x8xi32, #tpu.memory_space<hbm>>, %arg3: memref<4100x2048xf32, #tpu.memory_space<hbm>>, %arg4: memref<32768x2048xf32, #tpu.memory_space<hbm>>, %arg5: memref<128x8xi32, #tpu.memory_space<vmem>>, %arg6: memref<8x2048xf32, #tpu.memory_space<vmem>>, %arg7: memref<8x2048xf32, #tpu.memory_space<vmem>>, %arg8: memref<8x2048xf32, #tpu.memory_space<vmem>>, %arg9: memref<8x2048xf32, #tpu.memory_space<vmem>>, %arg10: memref<8x2048xf32, #tpu.memory_space<vmem>>, %arg11: memref<8x2048xf32, #tpu.memory_space<vmem>>, %arg12: memref<!tpu.dma_semaphore, #tpu.memory_space<semaphore_mem>>, %arg13: memref<!tpu.dma_semaphore, #tpu.memory_space<semaphore_mem>>, %arg14: memref<!tpu.dma_semaphore, #tpu.memory_space<semaphore_mem>>, %arg15: memref<!tpu.dma_semaphore, #tpu.memory_space<semaphore_mem>>, %arg16: memref<!tpu.dma_semaphore, #tpu.memory_space<semaphore_mem>>, %arg17: memref<!tpu.dma_semaphore, #tpu.memory_space<semaphore_mem>>, %arg18: memref<!tpu.dma_semaphore, #tpu.memory_space<semaphore_mem>>, %arg19: memref<!tpu.dma_semaphore, #tpu.memory_space<semaphore_mem>>, %arg20: memref<!tpu.dma_semaphore, #tpu.memory_space<semaphore_mem>>, %arg21: memref<!tpu.dma_semaphore, #tpu.memory_space<semaphore_mem>>, %arg22: memref<!tpu.dma_semaphore, #tpu.memory_space<semaphore_mem>>, %arg23: memref<!tpu.dma_semaphore, #tpu.memory_space<semaphore_mem>>) attributes {dimension_semantics = [#tpu.dimension_semantics<core_parallel>, #tpu.dimension_semantics<subcore_parallel>], iteration_bounds = array<i64: 2, 16>, scalar_prefetch = 0 : i64, scratch_operands = 19 : i64, tpu.core_type = #tpu.core_type<sc_vector_subcore>, window_params = [{transform_indices = #map}, {transform_indices = #map1}, {transform_indices = #map1}]} {
    %mul3A = arith.constant 2 : i32
    %mul3A_0 = arith.muli %arg1, %mul3A : i32
    %add3A = arith.addi %mul3A_0, %arg0 : i32
    %mul3A_1 = arith.constant 1024 : i32
    %mul3A_2 = arith.muli %add3A, %mul3A_1 : i32
    "tpu.region"() ({
      %run_scoped3A = tpu.sem_alloc : memref<!tpu.dma_semaphore, #tpu.memory_space<semaphore_mem>>
      %dma_start3A_95 = arith.constant 0 : i32
      %dma_start3A_96 = arith.constant 0 : i32
      %dma_start3A_97 = tpu.memref_slice %arg2[%add3A, %dma_start3A_95, %dma_start3A_96] : memref<32x128x8xi32, #tpu.memory_space<hbm>> -> memref<1x128x8xi32, #tpu.memory_space<hbm>>
      %dma_start3A_98 = tpu.memref_squeeze %dma_start3A_97 : memref<1x128x8xi32, #tpu.memory_space<hbm>> -> memref<128x8xi32, #tpu.memory_space<hbm>>
      %dma_start3A_99 = arith.constant 0 : i32
      %dma_start3A_100 = arith.constant 0 : i32
      %dma_start3A_101 = tpu.memref_slice %arg2[%add3A, %dma_start3A_99, %dma_start3A_100] : memref<32x128x8xi32, #tpu.memory_space<hbm>> -> memref<1x128x8xi32, #tpu.memory_space<hbm>>
      %dma_start3A_102 = tpu.memref_squeeze %dma_start3A_101 : memref<1x128x8xi32, #tpu.memory_space<hbm>> -> memref<128x8xi32, #tpu.memory_space<hbm>>
      tpu.enqueue_dma source(%dma_start3A_102 : memref<128x8xi32, #tpu.memory_space<hbm>>) target(%arg5 : memref<128x8xi32, #tpu.memory_space<vmem>>) target_semaphore(%run_scoped3A : memref<!tpu.dma_semaphore, #tpu.memory_space<semaphore_mem>>)
      %dma_wait3A_103 = arith.constant 0 : i32
      %dma_wait3A_104 = arith.constant 0 : i32
      %dma_wait3A_105 = tpu.memref_slice %arg2[%add3A, %dma_wait3A_103, %dma_wait3A_104] : memref<32x128x8xi32, #tpu.memory_space<hbm>> -> memref<1x128x8xi32, #tpu.memory_space<hbm>>
      %dma_wait3A_106 = tpu.memref_squeeze %dma_wait3A_105 : memref<1x128x8xi32, #tpu.memory_space<hbm>> -> memref<128x8xi32, #tpu.memory_space<hbm>>
      %dma_wait3A_107 = arith.constant 0 : i32
      %dma_wait3A_108 = arith.constant 0 : i32
      %dma_wait3A_109 = tpu.memref_slice %arg2[%add3A, %dma_wait3A_107, %dma_wait3A_108] : memref<32x128x8xi32, #tpu.memory_space<hbm>> -> memref<1x128x8xi32, #tpu.memory_space<hbm>>
      %dma_wait3A_110 = tpu.memref_squeeze %dma_wait3A_109 : memref<1x128x8xi32, #tpu.memory_space<hbm>> -> memref<128x8xi32, #tpu.memory_space<hbm>>
      tpu.wait_dma2 semaphore(%run_scoped3A : memref<!tpu.dma_semaphore, #tpu.memory_space<semaphore_mem>>) src(%dma_wait3A_110 : memref<128x8xi32, #tpu.memory_space<hbm>>) dst(%arg5 : memref<128x8xi32, #tpu.memory_space<vmem>>)
      tpu.yield
    }) : () -> ()
    %scan3A = arith.constant 0 : i32
    %scan3A_3 = arith.constant 0 : i32
    %scan3A_4 = arith.constant 21 : i32
    %scan3A_5 = arith.addi %scan3A_3, %scan3A_4 : i32
    %scan3A_6 = arith.constant 1 : i32
    %scan3A_7 = scf.for %scan3A_95 = %scan3A_3 to %scan3A_5 step %scan3A_6 iter_args(%scan3A_96 = %scan3A) -> (i32)  : i32 {
      %mul3A_97 = arith.constant 6 : i32
      %mul3A_98 = arith.muli %scan3A_95, %mul3A_97 : i32
      %gt3A = arith.constant 0 : i32
      %gt3A_99 = arith.cmpi sgt, %scan3A_95, %gt3A : i32
      %convert_element_type3A = arith.extui %gt3A_99 : i1 to i32
      %cond3A = arith.constant 0 : i32
      %cond3A_100 = arith.cmpi ne, %convert_element_type3A, %cond3A : i32
      scf.if %cond3A_100 {
        %sub3A = arith.constant 6 : i32
        %sub3A_277 = arith.subi %mul3A_98, %sub3A : i32
        %add3A_278 = arith.constant 0 : i32
        %add3A_279 = arith.addi %sub3A_277, %add3A_278 : i32
        %mul3A_280 = arith.constant 8 : i32
        %mul3A_281 = arith.muli %add3A_279, %mul3A_280 : i32
        %add3A_282 = arith.addi %mul3A_2, %mul3A_281 : i32
        %dma_wait3A_283 = arith.constant 0 : i32
        %dma_wait3A_284 = tpu.memref_slice %arg4[%add3A_282, %dma_wait3A_283] : memref<32768x2048xf32, #tpu.memory_space<hbm>> -> memref<8x2048xf32, #tpu.memory_space<hbm>>
        %dma_wait3A_285 = arith.constant 0 : i32
        %dma_wait3A_286 = tpu.memref_slice %arg4[%add3A_282, %dma_wait3A_285] : memref<32768x2048xf32, #tpu.memory_space<hbm>> -> memref<8x2048xf32, #tpu.memory_space<hbm>>
        tpu.wait_dma2 semaphore(%arg18 : memref<!tpu.dma_semaphore, #tpu.memory_space<semaphore_mem>>) src(%arg6 : memref<8x2048xf32, #tpu.memory_space<vmem>>) dst(%dma_wait3A_286 : memref<8x2048xf32, #tpu.memory_space<hbm>>)
      } else {
      }
      %add3A_101 = arith.constant 0 : i32
      %add3A_102 = arith.addi %mul3A_98, %add3A_101 : i32
      %dma_start3A_103 = arith.constant 0 : i32
      %dma_start3A_104 = tpu.memref_slice %arg5[%add3A_102, %dma_start3A_103] : memref<128x8xi32, #tpu.memory_space<vmem>> -> memref<1x8xi32, #tpu.memory_space<vmem>>
      %dma_start3A_105 = tpu.memref_squeeze %dma_start3A_104 : memref<1x8xi32, #tpu.memory_space<vmem>> -> memref<8xi32, #tpu.memory_space<vmem>>
      %dma_start3A_106 = arith.constant 0 : i32
      %dma_start3A_107 = arith.constant 0 : i32
      %dma_start3A_108 = tpu.memref_slice %arg3[%dma_start3A_106, %dma_start3A_107] : memref<4100x2048xf32, #tpu.memory_space<hbm>> -> memref<4100x2048xf32, #tpu.memory_space<hbm>>
      tpu.enqueue_indirect_dma source(%dma_start3A_108 : memref<4100x2048xf32, #tpu.memory_space<hbm>>) target(%arg6 : memref<8x2048xf32, #tpu.memory_space<vmem>>) offsets(%dma_start3A_105 : memref<8xi32, #tpu.memory_space<vmem>>) semaphore(%arg12 : memref<!tpu.dma_semaphore, #tpu.memory_space<semaphore_mem>>)
      %gt3A_109 = arith.constant 0 : i32
      %gt3A_110 = arith.cmpi sgt, %scan3A_95, %gt3A_109 : i32
      %convert_element_type3A_111 = arith.extui %gt3A_110 : i1 to i32
      %cond3A_112 = arith.constant 0 : i32
      %cond3A_113 = arith.cmpi ne, %convert_element_type3A_111, %cond3A_112 : i32
      scf.if %cond3A_113 {
        %sub3A = arith.constant 6 : i32
        %sub3A_277 = arith.subi %mul3A_98, %sub3A : i32
        %add3A_278 = arith.constant 1 : i32
        %add3A_279 = arith.addi %sub3A_277, %add3A_278 : i32
        %mul3A_280 = arith.constant 8 : i32
        %mul3A_281 = arith.muli %add3A_279, %mul3A_280 : i32
        %add3A_282 = arith.addi %mul3A_2, %mul3A_281 : i32
        %dma_wait3A_283 = arith.constant 0 : i32
        %dma_wait3A_284 = tpu.memref_slice %arg4[%add3A_282, %dma_wait3A_283] : memref<32768x2048xf32, #tpu.memory_space<hbm>> -> memref<8x2048xf32, #tpu.memory_space<hbm>>
        %dma_wait3A_285 = arith.constant 0 : i32
        %dma_wait3A_286 = tpu.memref_slice %arg4[%add3A_282, %dma_wait3A_285] : memref<32768x2048xf32, #tpu.memory_space<hbm>> -> memref<8x2048xf32, #tpu.memory_space<hbm>>
        tpu.wait_dma2 semaphore(%arg19 : memref<!tpu.dma_semaphore, #tpu.memory_space<semaphore_mem>>) src(%arg7 : memref<8x2048xf32, #tpu.memory_space<vmem>>) dst(%dma_wait3A_286 : memref<8x2048xf32, #tpu.memory_space<hbm>>)
      } else {
      }
      %add3A_114 = arith.constant 1 : i32
      %add3A_115 = arith.addi %mul3A_98, %add3A_114 : i32
      %dma_start3A_116 = arith.constant 0 : i32
      %dma_start3A_117 = tpu.memref_slice %arg5[%add3A_115, %dma_start3A_116] : memref<128x8xi32, #tpu.memory_space<vmem>> -> memref<1x8xi32, #tpu.memory_space<vmem>>
      %dma_start3A_118 = tpu.memref_squeeze %dma_start3A_117 : memref<1x8xi32, #tpu.memory_space<vmem>> -> memref<8xi32, #tpu.memory_space<vmem>>
      %dma_start3A_119 = arith.constant 0 : i32
      %dma_start3A_120 = arith.constant 0 : i32
      %dma_start3A_121 = tpu.memref_slice %arg3[%dma_start3A_119, %dma_start3A_120] : memref<4100x2048xf32, #tpu.memory_space<hbm>> -> memref<4100x2048xf32, #tpu.memory_space<hbm>>
      tpu.enqueue_indirect_dma source(%dma_start3A_121 : memref<4100x2048xf32, #tpu.memory_space<hbm>>) target(%arg7 : memref<8x2048xf32, #tpu.memory_space<vmem>>) offsets(%dma_start3A_118 : memref<8xi32, #tpu.memory_space<vmem>>) semaphore(%arg13 : memref<!tpu.dma_semaphore, #tpu.memory_space<semaphore_mem>>)
      %gt3A_122 = arith.constant 0 : i32
      %gt3A_123 = arith.cmpi sgt, %scan3A_95, %gt3A_122 : i32
      %convert_element_type3A_124 = arith.extui %gt3A_123 : i1 to i32
      %cond3A_125 = arith.constant 0 : i32
      %cond3A_126 = arith.cmpi ne, %convert_element_type3A_124, %cond3A_125 : i32
      scf.if %cond3A_126 {
        %sub3A = arith.constant 6 : i32
        %sub3A_277 = arith.subi %mul3A_98, %sub3A : i32
        %add3A_278 = arith.constant 2 : i32
        %add3A_279 = arith.addi %sub3A_277, %add3A_278 : i32
        %mul3A_280 = arith.constant 8 : i32
        %mul3A_281 = arith.muli %add3A_279, %mul3A_280 : i32
        %add3A_282 = arith.addi %mul3A_2, %mul3A_281 : i32
        %dma_wait3A_283 = arith.constant 0 : i32
        %dma_wait3A_284 = tpu.memref_slice %arg4[%add3A_282, %dma_wait3A_283] : memref<32768x2048xf32, #tpu.memory_space<hbm>> -> memref<8x2048xf32, #tpu.memory_space<hbm>>
        %dma_wait3A_285 = arith.constant 0 : i32
        %dma_wait3A_286 = tpu.memref_slice %arg4[%add3A_282, %dma_wait3A_285] : memref<32768x2048xf32, #tpu.memory_space<hbm>> -> memref<8x2048xf32, #tpu.memory_space<hbm>>
        tpu.wait_dma2 semaphore(%arg20 : memref<!tpu.dma_semaphore, #tpu.memory_space<semaphore_mem>>) src(%arg8 : memref<8x2048xf32, #tpu.memory_space<vmem>>) dst(%dma_wait3A_286 : memref<8x2048xf32, #tpu.memory_space<hbm>>)
      } else {
      }
      %add3A_127 = arith.constant 2 : i32
      %add3A_128 = arith.addi %mul3A_98, %add3A_127 : i32
      %dma_start3A_129 = arith.constant 0 : i32
      %dma_start3A_130 = tpu.memref_slice %arg5[%add3A_128, %dma_start3A_129] : memref<128x8xi32, #tpu.memory_space<vmem>> -> memref<1x8xi32, #tpu.memory_space<vmem>>
      %dma_start3A_131 = tpu.memref_squeeze %dma_start3A_130 : memref<1x8xi32, #tpu.memory_space<vmem>> -> memref<8xi32, #tpu.memory_space<vmem>>
      %dma_start3A_132 = arith.constant 0 : i32
      %dma_start3A_133 = arith.constant 0 : i32
      %dma_start3A_134 = tpu.memref_slice %arg3[%dma_start3A_132, %dma_start3A_133] : memref<4100x2048xf32, #tpu.memory_space<hbm>> -> memref<4100x2048xf32, #tpu.memory_space<hbm>>
      tpu.enqueue_indirect_dma source(%dma_start3A_134 : memref<4100x2048xf32, #tpu.memory_space<hbm>>) target(%arg8 : memref<8x2048xf32, #tpu.memory_space<vmem>>) offsets(%dma_start3A_131 : memref<8xi32, #tpu.memory_space<vmem>>) semaphore(%arg14 : memref<!tpu.dma_semaphore, #tpu.memory_space<semaphore_mem>>)
      %gt3A_135 = arith.constant 0 : i32
      %gt3A_136 = arith.cmpi sgt, %scan3A_95, %gt3A_135 : i32
      %convert_element_type3A_137 = arith.extui %gt3A_136 : i1 to i32
      %cond3A_138 = arith.constant 0 : i32
      %cond3A_139 = arith.cmpi ne, %convert_element_type3A_137, %cond3A_138 : i32
      scf.if %cond3A_139 {
        %sub3A = arith.constant 6 : i32
        %sub3A_277 = arith.subi %mul3A_98, %sub3A : i32
        %add3A_278 = arith.constant 3 : i32
        %add3A_279 = arith.addi %sub3A_277, %add3A_278 : i32
        %mul3A_280 = arith.constant 8 : i32
        %mul3A_281 = arith.muli %add3A_279, %mul3A_280 : i32
        %add3A_282 = arith.addi %mul3A_2, %mul3A_281 : i32
        %dma_wait3A_283 = arith.constant 0 : i32
        %dma_wait3A_284 = tpu.memref_slice %arg4[%add3A_282, %dma_wait3A_283] : memref<32768x2048xf32, #tpu.memory_space<hbm>> -> memref<8x2048xf32, #tpu.memory_space<hbm>>
        %dma_wait3A_285 = arith.constant 0 : i32
        %dma_wait3A_286 = tpu.memref_slice %arg4[%add3A_282, %dma_wait3A_285] : memref<32768x2048xf32, #tpu.memory_space<hbm>> -> memref<8x2048xf32, #tpu.memory_space<hbm>>
        tpu.wait_dma2 semaphore(%arg21 : memref<!tpu.dma_semaphore, #tpu.memory_space<semaphore_mem>>) src(%arg9 : memref<8x2048xf32, #tpu.memory_space<vmem>>) dst(%dma_wait3A_286 : memref<8x2048xf32, #tpu.memory_space<hbm>>)
      } else {
      }
      %add3A_140 = arith.constant 3 : i32
      %add3A_141 = arith.addi %mul3A_98, %add3A_140 : i32
      %dma_start3A_142 = arith.constant 0 : i32
      %dma_start3A_143 = tpu.memref_slice %arg5[%add3A_141, %dma_start3A_142] : memref<128x8xi32, #tpu.memory_space<vmem>> -> memref<1x8xi32, #tpu.memory_space<vmem>>
      %dma_start3A_144 = tpu.memref_squeeze %dma_start3A_143 : memref<1x8xi32, #tpu.memory_space<vmem>> -> memref<8xi32, #tpu.memory_space<vmem>>
      %dma_start3A_145 = arith.constant 0 : i32
      %dma_start3A_146 = arith.constant 0 : i32
      %dma_start3A_147 = tpu.memref_slice %arg3[%dma_start3A_145, %dma_start3A_146] : memref<4100x2048xf32, #tpu.memory_space<hbm>> -> memref<4100x2048xf32, #tpu.memory_space<hbm>>
      tpu.enqueue_indirect_dma source(%dma_start3A_147 : memref<4100x2048xf32, #tpu.memory_space<hbm>>) target(%arg9 : memref<8x2048xf32, #tpu.memory_space<vmem>>) offsets(%dma_start3A_144 : memref<8xi32, #tpu.memory_space<vmem>>) semaphore(%arg15 : memref<!tpu.dma_semaphore, #tpu.memory_space<semaphore_mem>>)
      %gt3A_148 = arith.constant 0 : i32
      %gt3A_149 = arith.cmpi sgt, %scan3A_95, %gt3A_148 : i32
      %convert_element_type3A_150 = arith.extui %gt3A_149 : i1 to i32
      %cond3A_151 = arith.constant 0 : i32
      %cond3A_152 = arith.cmpi ne, %convert_element_type3A_150, %cond3A_151 : i32
      scf.if %cond3A_152 {
        %sub3A = arith.constant 6 : i32
        %sub3A_277 = arith.subi %mul3A_98, %sub3A : i32
        %add3A_278 = arith.constant 4 : i32
        %add3A_279 = arith.addi %sub3A_277, %add3A_278 : i32
        %mul3A_280 = arith.constant 8 : i32
        %mul3A_281 = arith.muli %add3A_279, %mul3A_280 : i32
        %add3A_282 = arith.addi %mul3A_2, %mul3A_281 : i32
        %dma_wait3A_283 = arith.constant 0 : i32
        %dma_wait3A_284 = tpu.memref_slice %arg4[%add3A_282, %dma_wait3A_283] : memref<32768x2048xf32, #tpu.memory_space<hbm>> -> memref<8x2048xf32, #tpu.memory_space<hbm>>
        %dma_wait3A_285 = arith.constant 0 : i32
        %dma_wait3A_286 = tpu.memref_slice %arg4[%add3A_282, %dma_wait3A_285] : memref<32768x2048xf32, #tpu.memory_space<hbm>> -> memref<8x2048xf32, #tpu.memory_space<hbm>>
        tpu.wait_dma2 semaphore(%arg22 : memref<!tpu.dma_semaphore, #tpu.memory_space<semaphore_mem>>) src(%arg10 : memref<8x2048xf32, #tpu.memory_space<vmem>>) dst(%dma_wait3A_286 : memref<8x2048xf32, #tpu.memory_space<hbm>>)
      } else {
      }
      %add3A_153 = arith.constant 4 : i32
      %add3A_154 = arith.addi %mul3A_98, %add3A_153 : i32
      %dma_start3A_155 = arith.constant 0 : i32
      %dma_start3A_156 = tpu.memref_slice %arg5[%add3A_154, %dma_start3A_155] : memref<128x8xi32, #tpu.memory_space<vmem>> -> memref<1x8xi32, #tpu.memory_space<vmem>>
      %dma_start3A_157 = tpu.memref_squeeze %dma_start3A_156 : memref<1x8xi32, #tpu.memory_space<vmem>> -> memref<8xi32, #tpu.memory_space<vmem>>
      %dma_start3A_158 = arith.constant 0 : i32
      %dma_start3A_159 = arith.constant 0 : i32
      %dma_start3A_160 = tpu.memref_slice %arg3[%dma_start3A_158, %dma_start3A_159] : memref<4100x2048xf32, #tpu.memory_space<hbm>> -> memref<4100x2048xf32, #tpu.memory_space<hbm>>
      tpu.enqueue_indirect_dma source(%dma_start3A_160 : memref<4100x2048xf32, #tpu.memory_space<hbm>>) target(%arg10 : memref<8x2048xf32, #tpu.memory_space<vmem>>) offsets(%dma_start3A_157 : memref<8xi32, #tpu.memory_space<vmem>>) semaphore(%arg16 : memref<!tpu.dma_semaphore, #tpu.memory_space<semaphore_mem>>)
      %gt3A_161 = arith.constant 0 : i32
      %gt3A_162 = arith.cmpi sgt, %scan3A_95, %gt3A_161 : i32
      %convert_element_type3A_163 = arith.extui %gt3A_162 : i1 to i32
      %cond3A_164 = arith.constant 0 : i32
      %cond3A_165 = arith.cmpi ne, %convert_element_type3A_163, %cond3A_164 : i32
      scf.if %cond3A_165 {
        %sub3A = arith.constant 6 : i32
        %sub3A_277 = arith.subi %mul3A_98, %sub3A : i32
        %add3A_278 = arith.constant 5 : i32
        %add3A_279 = arith.addi %sub3A_277, %add3A_278 : i32
        %mul3A_280 = arith.constant 8 : i32
        %mul3A_281 = arith.muli %add3A_279, %mul3A_280 : i32
        %add3A_282 = arith.addi %mul3A_2, %mul3A_281 : i32
        %dma_wait3A_283 = arith.constant 0 : i32
        %dma_wait3A_284 = tpu.memref_slice %arg4[%add3A_282, %dma_wait3A_283] : memref<32768x2048xf32, #tpu.memory_space<hbm>> -> memref<8x2048xf32, #tpu.memory_space<hbm>>
        %dma_wait3A_285 = arith.constant 0 : i32
        %dma_wait3A_286 = tpu.memref_slice %arg4[%add3A_282, %dma_wait3A_285] : memref<32768x2048xf32, #tpu.memory_space<hbm>> -> memref<8x2048xf32, #tpu.memory_space<hbm>>
        tpu.wait_dma2 semaphore(%arg23 : memref<!tpu.dma_semaphore, #tpu.memory_space<semaphore_mem>>) src(%arg11 : memref<8x2048xf32, #tpu.memory_space<vmem>>) dst(%dma_wait3A_286 : memref<8x2048xf32, #tpu.memory_space<hbm>>)
      } else {
      }
      %add3A_166 = arith.constant 5 : i32
      %add3A_167 = arith.addi %mul3A_98, %add3A_166 : i32
      %dma_start3A_168 = arith.constant 0 : i32
      %dma_start3A_169 = tpu.memref_slice %arg5[%add3A_167, %dma_start3A_168] : memref<128x8xi32, #tpu.memory_space<vmem>> -> memref<1x8xi32, #tpu.memory_space<vmem>>
      %dma_start3A_170 = tpu.memref_squeeze %dma_start3A_169 : memref<1x8xi32, #tpu.memory_space<vmem>> -> memref<8xi32, #tpu.memory_space<vmem>>
      %dma_start3A_171 = arith.constant 0 : i32
      %dma_start3A_172 = arith.constant 0 : i32
      %dma_start3A_173 = tpu.memref_slice %arg3[%dma_start3A_171, %dma_start3A_172] : memref<4100x2048xf32, #tpu.memory_space<hbm>> -> memref<4100x2048xf32, #tpu.memory_space<hbm>>
      tpu.enqueue_indirect_dma source(%dma_start3A_173 : memref<4100x2048xf32, #tpu.memory_space<hbm>>) target(%arg11 : memref<8x2048xf32, #tpu.memory_space<vmem>>) offsets(%dma_start3A_170 : memref<8xi32, #tpu.memory_space<vmem>>) semaphore(%arg17 : memref<!tpu.dma_semaphore, #tpu.memory_space<semaphore_mem>>)
      %add3A_174 = arith.constant 0 : i32
      %add3A_175 = arith.addi %mul3A_98, %add3A_174 : i32
      %dma_wait3A_176 = arith.constant 0 : i32
      %dma_wait3A_177 = tpu.memref_slice %arg5[%add3A_175, %dma_wait3A_176] : memref<128x8xi32, #tpu.memory_space<vmem>> -> memref<1x8xi32, #tpu.memory_space<vmem>>
      %dma_wait3A_178 = tpu.memref_squeeze %dma_wait3A_177 : memref<1x8xi32, #tpu.memory_space<vmem>> -> memref<8xi32, #tpu.memory_space<vmem>>
      %dma_wait3A_179 = arith.constant 0 : i32
      %dma_wait3A_180 = arith.constant 0 : i32
      %dma_wait3A_181 = tpu.memref_slice %arg3[%dma_wait3A_179, %dma_wait3A_180] : memref<4100x2048xf32, #tpu.memory_space<hbm>> -> memref<4100x2048xf32, #tpu.memory_space<hbm>>
      tpu.wait_indirect_dma semaphore(%arg12 : memref<!tpu.dma_semaphore, #tpu.memory_space<semaphore_mem>>) src(%dma_wait3A_181 : memref<4100x2048xf32, #tpu.memory_space<hbm>>) dst(%arg6 : memref<8x2048xf32, #tpu.memory_space<vmem>>)
      %add3A_182 = arith.constant 0 : i32
      %add3A_183 = arith.addi %mul3A_98, %add3A_182 : i32
      %mul3A_184 = arith.constant 8 : i32
      %mul3A_185 = arith.muli %add3A_183, %mul3A_184 : i32
      %add3A_186 = arith.addi %mul3A_2, %mul3A_185 : i32
      %dma_start3A_187 = arith.constant 0 : i32
      %dma_start3A_188 = tpu.memref_slice %arg4[%add3A_186, %dma_start3A_187] : memref<32768x2048xf32, #tpu.memory_space<hbm>> -> memref<8x2048xf32, #tpu.memory_space<hbm>>
      %dma_start3A_189 = arith.constant 0 : i32
      %dma_start3A_190 = tpu.memref_slice %arg4[%add3A_186, %dma_start3A_189] : memref<32768x2048xf32, #tpu.memory_space<hbm>> -> memref<8x2048xf32, #tpu.memory_space<hbm>>
      tpu.enqueue_dma source(%arg6 : memref<8x2048xf32, #tpu.memory_space<vmem>>) target(%dma_start3A_190 : memref<8x2048xf32, #tpu.memory_space<hbm>>) target_semaphore(%arg18 : memref<!tpu.dma_semaphore, #tpu.memory_space<semaphore_mem>>)
      %add3A_191 = arith.constant 1 : i32
      %add3A_192 = arith.addi %mul3A_98, %add3A_191 : i32
      %dma_wait3A_193 = arith.constant 0 : i32
      %dma_wait3A_194 = tpu.memref_slice %arg5[%add3A_192, %dma_wait3A_193] : memref<128x8xi32, #tpu.memory_space<vmem>> -> memref<1x8xi32, #tpu.memory_space<vmem>>
      %dma_wait3A_195 = tpu.memref_squeeze %dma_wait3A_194 : memref<1x8xi32, #tpu.memory_space<vmem>> -> memref<8xi32, #tpu.memory_space<vmem>>
      %dma_wait3A_196 = arith.constant 0 : i32
      %dma_wait3A_197 = arith.constant 0 : i32
      %dma_wait3A_198 = tpu.memref_slice %arg3[%dma_wait3A_196, %dma_wait3A_197] : memref<4100x2048xf32, #tpu.memory_space<hbm>> -> memref<4100x2048xf32, #tpu.memory_space<hbm>>
      tpu.wait_indirect_dma semaphore(%arg13 : memref<!tpu.dma_semaphore, #tpu.memory_space<semaphore_mem>>) src(%dma_wait3A_198 : memref<4100x2048xf32, #tpu.memory_space<hbm>>) dst(%arg7 : memref<8x2048xf32, #tpu.memory_space<vmem>>)
      %add3A_199 = arith.constant 1 : i32
      %add3A_200 = arith.addi %mul3A_98, %add3A_199 : i32
      %mul3A_201 = arith.constant 8 : i32
      %mul3A_202 = arith.muli %add3A_200, %mul3A_201 : i32
      %add3A_203 = arith.addi %mul3A_2, %mul3A_202 : i32
      %dma_start3A_204 = arith.constant 0 : i32
      %dma_start3A_205 = tpu.memref_slice %arg4[%add3A_203, %dma_start3A_204] : memref<32768x2048xf32, #tpu.memory_space<hbm>> -> memref<8x2048xf32, #tpu.memory_space<hbm>>
      %dma_start3A_206 = arith.constant 0 : i32
      %dma_start3A_207 = tpu.memref_slice %arg4[%add3A_203, %dma_start3A_206] : memref<32768x2048xf32, #tpu.memory_space<hbm>> -> memref<8x2048xf32, #tpu.memory_space<hbm>>
      tpu.enqueue_dma source(%arg7 : memref<8x2048xf32, #tpu.memory_space<vmem>>) target(%dma_start3A_207 : memref<8x2048xf32, #tpu.memory_space<hbm>>) target_semaphore(%arg19 : memref<!tpu.dma_semaphore, #tpu.memory_space<semaphore_mem>>)
      %add3A_208 = arith.constant 2 : i32
      %add3A_209 = arith.addi %mul3A_98, %add3A_208 : i32
      %dma_wait3A_210 = arith.constant 0 : i32
      %dma_wait3A_211 = tpu.memref_slice %arg5[%add3A_209, %dma_wait3A_210] : memref<128x8xi32, #tpu.memory_space<vmem>> -> memref<1x8xi32, #tpu.memory_space<vmem>>
      %dma_wait3A_212 = tpu.memref_squeeze %dma_wait3A_211 : memref<1x8xi32, #tpu.memory_space<vmem>> -> memref<8xi32, #tpu.memory_space<vmem>>
      %dma_wait3A_213 = arith.constant 0 : i32
      %dma_wait3A_214 = arith.constant 0 : i32
      %dma_wait3A_215 = tpu.memref_slice %arg3[%dma_wait3A_213, %dma_wait3A_214] : memref<4100x2048xf32, #tpu.memory_space<hbm>> -> memref<4100x2048xf32, #tpu.memory_space<hbm>>
      tpu.wait_indirect_dma semaphore(%arg14 : memref<!tpu.dma_semaphore, #tpu.memory_space<semaphore_mem>>) src(%dma_wait3A_215 : memref<4100x2048xf32, #tpu.memory_space<hbm>>) dst(%arg8 : memref<8x2048xf32, #tpu.memory_space<vmem>>)
      %add3A_216 = arith.constant 2 : i32
      %add3A_217 = arith.addi %mul3A_98, %add3A_216 : i32
      %mul3A_218 = arith.constant 8 : i32
      %mul3A_219 = arith.muli %add3A_217, %mul3A_218 : i32
      %add3A_220 = arith.addi %mul3A_2, %mul3A_219 : i32
      %dma_start3A_221 = arith.constant 0 : i32
      %dma_start3A_222 = tpu.memref_slice %arg4[%add3A_220, %dma_start3A_221] : memref<32768x2048xf32, #tpu.memory_space<hbm>> -> memref<8x2048xf32, #tpu.memory_space<hbm>>
      %dma_start3A_223 = arith.constant 0 : i32
      %dma_start3A_224 = tpu.memref_slice %arg4[%add3A_220, %dma_start3A_223] : memref<32768x2048xf32, #tpu.memory_space<hbm>> -> memref<8x2048xf32, #tpu.memory_space<hbm>>
      tpu.enqueue_dma source(%arg8 : memref<8x2048xf32, #tpu.memory_space<vmem>>) target(%dma_start3A_224 : memref<8x2048xf32, #tpu.memory_space<hbm>>) target_semaphore(%arg20 : memref<!tpu.dma_semaphore, #tpu.memory_space<semaphore_mem>>)
      %add3A_225 = arith.constant 3 : i32
      %add3A_226 = arith.addi %mul3A_98, %add3A_225 : i32
      %dma_wait3A_227 = arith.constant 0 : i32
      %dma_wait3A_228 = tpu.memref_slice %arg5[%add3A_226, %dma_wait3A_227] : memref<128x8xi32, #tpu.memory_space<vmem>> -> memref<1x8xi32, #tpu.memory_space<vmem>>
      %dma_wait3A_229 = tpu.memref_squeeze %dma_wait3A_228 : memref<1x8xi32, #tpu.memory_space<vmem>> -> memref<8xi32, #tpu.memory_space<vmem>>
      %dma_wait3A_230 = arith.constant 0 : i32
      %dma_wait3A_231 = arith.constant 0 : i32
      %dma_wait3A_232 = tpu.memref_slice %arg3[%dma_wait3A_230, %dma_wait3A_231] : memref<4100x2048xf32, #tpu.memory_space<hbm>> -> memref<4100x2048xf32, #tpu.memory_space<hbm>>
      tpu.wait_indirect_dma semaphore(%arg15 : memref<!tpu.dma_semaphore, #tpu.memory_space<semaphore_mem>>) src(%dma_wait3A_232 : memref<4100x2048xf32, #tpu.memory_space<hbm>>) dst(%arg9 : memref<8x2048xf32, #tpu.memory_space<vmem>>)
      %add3A_233 = arith.constant 3 : i32
      %add3A_234 = arith.addi %mul3A_98, %add3A_233 : i32
      %mul3A_235 = arith.constant 8 : i32
      %mul3A_236 = arith.muli %add3A_234, %mul3A_235 : i32
      %add3A_237 = arith.addi %mul3A_2, %mul3A_236 : i32
      %dma_start3A_238 = arith.constant 0 : i32
      %dma_start3A_239 = tpu.memref_slice %arg4[%add3A_237, %dma_start3A_238] : memref<32768x2048xf32, #tpu.memory_space<hbm>> -> memref<8x2048xf32, #tpu.memory_space<hbm>>
      %dma_start3A_240 = arith.constant 0 : i32
      %dma_start3A_241 = tpu.memref_slice %arg4[%add3A_237, %dma_start3A_240] : memref<32768x2048xf32, #tpu.memory_space<hbm>> -> memref<8x2048xf32, #tpu.memory_space<hbm>>
      tpu.enqueue_dma source(%arg9 : memref<8x2048xf32, #tpu.memory_space<vmem>>) target(%dma_start3A_241 : memref<8x2048xf32, #tpu.memory_space<hbm>>) target_semaphore(%arg21 : memref<!tpu.dma_semaphore, #tpu.memory_space<semaphore_mem>>)
      %add3A_242 = arith.constant 4 : i32
      %add3A_243 = arith.addi %mul3A_98, %add3A_242 : i32
      %dma_wait3A_244 = arith.constant 0 : i32
      %dma_wait3A_245 = tpu.memref_slice %arg5[%add3A_243, %dma_wait3A_244] : memref<128x8xi32, #tpu.memory_space<vmem>> -> memref<1x8xi32, #tpu.memory_space<vmem>>
      %dma_wait3A_246 = tpu.memref_squeeze %dma_wait3A_245 : memref<1x8xi32, #tpu.memory_space<vmem>> -> memref<8xi32, #tpu.memory_space<vmem>>
      %dma_wait3A_247 = arith.constant 0 : i32
      %dma_wait3A_248 = arith.constant 0 : i32
      %dma_wait3A_249 = tpu.memref_slice %arg3[%dma_wait3A_247, %dma_wait3A_248] : memref<4100x2048xf32, #tpu.memory_space<hbm>> -> memref<4100x2048xf32, #tpu.memory_space<hbm>>
      tpu.wait_indirect_dma semaphore(%arg16 : memref<!tpu.dma_semaphore, #tpu.memory_space<semaphore_mem>>) src(%dma_wait3A_249 : memref<4100x2048xf32, #tpu.memory_space<hbm>>) dst(%arg10 : memref<8x2048xf32, #tpu.memory_space<vmem>>)
      %add3A_250 = arith.constant 4 : i32
      %add3A_251 = arith.addi %mul3A_98, %add3A_250 : i32
      %mul3A_252 = arith.constant 8 : i32
      %mul3A_253 = arith.muli %add3A_251, %mul3A_252 : i32
      %add3A_254 = arith.addi %mul3A_2, %mul3A_253 : i32
      %dma_start3A_255 = arith.constant 0 : i32
      %dma_start3A_256 = tpu.memref_slice %arg4[%add3A_254, %dma_start3A_255] : memref<32768x2048xf32, #tpu.memory_space<hbm>> -> memref<8x2048xf32, #tpu.memory_space<hbm>>
      %dma_start3A_257 = arith.constant 0 : i32
      %dma_start3A_258 = tpu.memref_slice %arg4[%add3A_254, %dma_start3A_257] : memref<32768x2048xf32, #tpu.memory_space<hbm>> -> memref<8x2048xf32, #tpu.memory_space<hbm>>
      tpu.enqueue_dma source(%arg10 : memref<8x2048xf32, #tpu.memory_space<vmem>>) target(%dma_start3A_258 : memref<8x2048xf32, #tpu.memory_space<hbm>>) target_semaphore(%arg22 : memref<!tpu.dma_semaphore, #tpu.memory_space<semaphore_mem>>)
      %add3A_259 = arith.constant 5 : i32
      %add3A_260 = arith.addi %mul3A_98, %add3A_259 : i32
      %dma_wait3A_261 = arith.constant 0 : i32
      %dma_wait3A_262 = tpu.memref_slice %arg5[%add3A_260, %dma_wait3A_261] : memref<128x8xi32, #tpu.memory_space<vmem>> -> memref<1x8xi32, #tpu.memory_space<vmem>>
      %dma_wait3A_263 = tpu.memref_squeeze %dma_wait3A_262 : memref<1x8xi32, #tpu.memory_space<vmem>> -> memref<8xi32, #tpu.memory_space<vmem>>
      %dma_wait3A_264 = arith.constant 0 : i32
      %dma_wait3A_265 = arith.constant 0 : i32
      %dma_wait3A_266 = tpu.memref_slice %arg3[%dma_wait3A_264, %dma_wait3A_265] : memref<4100x2048xf32, #tpu.memory_space<hbm>> -> memref<4100x2048xf32, #tpu.memory_space<hbm>>
      tpu.wait_indirect_dma semaphore(%arg17 : memref<!tpu.dma_semaphore, #tpu.memory_space<semaphore_mem>>) src(%dma_wait3A_266 : memref<4100x2048xf32, #tpu.memory_space<hbm>>) dst(%arg11 : memref<8x2048xf32, #tpu.memory_space<vmem>>)
      %add3A_267 = arith.constant 5 : i32
      %add3A_268 = arith.addi %mul3A_98, %add3A_267 : i32
      %mul3A_269 = arith.constant 8 : i32
      %mul3A_270 = arith.muli %add3A_268, %mul3A_269 : i32
      %add3A_271 = arith.addi %mul3A_2, %mul3A_270 : i32
      %dma_start3A_272 = arith.constant 0 : i32
      %dma_start3A_273 = tpu.memref_slice %arg4[%add3A_271, %dma_start3A_272] : memref<32768x2048xf32, #tpu.memory_space<hbm>> -> memref<8x2048xf32, #tpu.memory_space<hbm>>
      %dma_start3A_274 = arith.constant 0 : i32
      %dma_start3A_275 = tpu.memref_slice %arg4[%add3A_271, %dma_start3A_274] : memref<32768x2048xf32, #tpu.memory_space<hbm>> -> memref<8x2048xf32, #tpu.memory_space<hbm>>
      tpu.enqueue_dma source(%arg11 : memref<8x2048xf32, #tpu.memory_space<vmem>>) target(%dma_start3A_275 : memref<8x2048xf32, #tpu.memory_space<hbm>>) target_semaphore(%arg23 : memref<!tpu.dma_semaphore, #tpu.memory_space<semaphore_mem>>)
      %scan3A_276 = arith.constant 0 : i32
      scf.yield %scan3A_276 : i32
    }
    %scan3A_8 = arith.constant 21 : i32
    %add3A_9 = arith.constant 960 : i32
    %add3A_10 = arith.addi %mul3A_2, %add3A_9 : i32
    %dma_wait3A = arith.constant 0 : i32
    %dma_wait3A_11 = tpu.memref_slice %arg4[%add3A_10, %dma_wait3A] : memref<32768x2048xf32, #tpu.memory_space<hbm>> -> memref<8x2048xf32, #tpu.memory_space<hbm>>
    %dma_wait3A_12 = arith.constant 0 : i32
    %dma_wait3A_13 = tpu.memref_slice %arg4[%add3A_10, %dma_wait3A_12] : memref<32768x2048xf32, #tpu.memory_space<hbm>> -> memref<8x2048xf32, #tpu.memory_space<hbm>>
    tpu.wait_dma2 semaphore(%arg18 : memref<!tpu.dma_semaphore, #tpu.memory_space<semaphore_mem>>) src(%arg6 : memref<8x2048xf32, #tpu.memory_space<vmem>>) dst(%dma_wait3A_13 : memref<8x2048xf32, #tpu.memory_space<hbm>>)
    %dma_start3A = arith.constant 126 : i32
    %dma_start3A_14 = arith.constant 0 : i32
    %dma_start3A_15 = tpu.memref_slice %arg5[%dma_start3A, %dma_start3A_14] : memref<128x8xi32, #tpu.memory_space<vmem>> -> memref<1x8xi32, #tpu.memory_space<vmem>>
    %dma_start3A_16 = tpu.memref_squeeze %dma_start3A_15 : memref<1x8xi32, #tpu.memory_space<vmem>> -> memref<8xi32, #tpu.memory_space<vmem>>
    %dma_start3A_17 = arith.constant 0 : i32
    %dma_start3A_18 = arith.constant 0 : i32
    %dma_start3A_19 = tpu.memref_slice %arg3[%dma_start3A_17, %dma_start3A_18] : memref<4100x2048xf32, #tpu.memory_space<hbm>> -> memref<4100x2048xf32, #tpu.memory_space<hbm>>
    tpu.enqueue_indirect_dma source(%dma_start3A_19 : memref<4100x2048xf32, #tpu.memory_space<hbm>>) target(%arg6 : memref<8x2048xf32, #tpu.memory_space<vmem>>) offsets(%dma_start3A_16 : memref<8xi32, #tpu.memory_space<vmem>>) semaphore(%arg12 : memref<!tpu.dma_semaphore, #tpu.memory_space<semaphore_mem>>)
    %dma_wait3A_20 = arith.constant 126 : i32
    %dma_wait3A_21 = arith.constant 0 : i32
    %dma_wait3A_22 = tpu.memref_slice %arg5[%dma_wait3A_20, %dma_wait3A_21] : memref<128x8xi32, #tpu.memory_space<vmem>> -> memref<1x8xi32, #tpu.memory_space<vmem>>
    %dma_wait3A_23 = tpu.memref_squeeze %dma_wait3A_22 : memref<1x8xi32, #tpu.memory_space<vmem>> -> memref<8xi32, #tpu.memory_space<vmem>>
    %dma_wait3A_24 = arith.constant 0 : i32
    %dma_wait3A_25 = arith.constant 0 : i32
    %dma_wait3A_26 = tpu.memref_slice %arg3[%dma_wait3A_24, %dma_wait3A_25] : memref<4100x2048xf32, #tpu.memory_space<hbm>> -> memref<4100x2048xf32, #tpu.memory_space<hbm>>
    tpu.wait_indirect_dma semaphore(%arg12 : memref<!tpu.dma_semaphore, #tpu.memory_space<semaphore_mem>>) src(%dma_wait3A_26 : memref<4100x2048xf32, #tpu.memory_space<hbm>>) dst(%arg6 : memref<8x2048xf32, #tpu.memory_space<vmem>>)
    %add3A_27 = arith.constant 1008 : i32
    %add3A_28 = arith.addi %mul3A_2, %add3A_27 : i32
    %dma_start3A_29 = arith.constant 0 : i32
    %dma_start3A_30 = tpu.memref_slice %arg4[%add3A_28, %dma_start3A_29] : memref<32768x2048xf32, #tpu.memory_space<hbm>> -> memref<8x2048xf32, #tpu.memory_space<hbm>>
    %dma_start3A_31 = arith.constant 0 : i32
    %dma_start3A_32 = tpu.memref_slice %arg4[%add3A_28, %dma_start3A_31] : memref<32768x2048xf32, #tpu.memory_space<hbm>> -> memref<8x2048xf32, #tpu.memory_space<hbm>>
    tpu.enqueue_dma source(%arg6 : memref<8x2048xf32, #tpu.memory_space<vmem>>) target(%dma_start3A_32 : memref<8x2048xf32, #tpu.memory_space<hbm>>) target_semaphore(%arg18 : memref<!tpu.dma_semaphore, #tpu.memory_space<semaphore_mem>>)
    %add3A_33 = arith.constant 968 : i32
    %add3A_34 = arith.addi %mul3A_2, %add3A_33 : i32
    %dma_wait3A_35 = arith.constant 0 : i32
    %dma_wait3A_36 = tpu.memref_slice %arg4[%add3A_34, %dma_wait3A_35] : memref<32768x2048xf32, #tpu.memory_space<hbm>> -> memref<8x2048xf32, #tpu.memory_space<hbm>>
    %dma_wait3A_37 = arith.constant 0 : i32
    %dma_wait3A_38 = tpu.memref_slice %arg4[%add3A_34, %dma_wait3A_37] : memref<32768x2048xf32, #tpu.memory_space<hbm>> -> memref<8x2048xf32, #tpu.memory_space<hbm>>
    tpu.wait_dma2 semaphore(%arg19 : memref<!tpu.dma_semaphore, #tpu.memory_space<semaphore_mem>>) src(%arg7 : memref<8x2048xf32, #tpu.memory_space<vmem>>) dst(%dma_wait3A_38 : memref<8x2048xf32, #tpu.memory_space<hbm>>)
    %dma_start3A_39 = arith.constant 127 : i32
    %dma_start3A_40 = arith.constant 0 : i32
    %dma_start3A_41 = tpu.memref_slice %arg5[%dma_start3A_39, %dma_start3A_40] : memref<128x8xi32, #tpu.memory_space<vmem>> -> memref<1x8xi32, #tpu.memory_space<vmem>>
    %dma_start3A_42 = tpu.memref_squeeze %dma_start3A_41 : memref<1x8xi32, #tpu.memory_space<vmem>> -> memref<8xi32, #tpu.memory_space<vmem>>
    %dma_start3A_43 = arith.constant 0 : i32
    %dma_start3A_44 = arith.constant 0 : i32
    %dma_start3A_45 = tpu.memref_slice %arg3[%dma_start3A_43, %dma_start3A_44] : memref<4100x2048xf32, #tpu.memory_space<hbm>> -> memref<4100x2048xf32, #tpu.memory_space<hbm>>
    tpu.enqueue_indirect_dma source(%dma_start3A_45 : memref<4100x2048xf32, #tpu.memory_space<hbm>>) target(%arg7 : memref<8x2048xf32, #tpu.memory_space<vmem>>) offsets(%dma_start3A_42 : memref<8xi32, #tpu.memory_space<vmem>>) semaphore(%arg13 : memref<!tpu.dma_semaphore, #tpu.memory_space<semaphore_mem>>)
    %dma_wait3A_46 = arith.constant 127 : i32
    %dma_wait3A_47 = arith.constant 0 : i32
    %dma_wait3A_48 = tpu.memref_slice %arg5[%dma_wait3A_46, %dma_wait3A_47] : memref<128x8xi32, #tpu.memory_space<vmem>> -> memref<1x8xi32, #tpu.memory_space<vmem>>
    %dma_wait3A_49 = tpu.memref_squeeze %dma_wait3A_48 : memref<1x8xi32, #tpu.memory_space<vmem>> -> memref<8xi32, #tpu.memory_space<vmem>>
    %dma_wait3A_50 = arith.constant 0 : i32
    %dma_wait3A_51 = arith.constant 0 : i32
    %dma_wait3A_52 = tpu.memref_slice %arg3[%dma_wait3A_50, %dma_wait3A_51] : memref<4100x2048xf32, #tpu.memory_space<hbm>> -> memref<4100x2048xf32, #tpu.memory_space<hbm>>
    tpu.wait_indirect_dma semaphore(%arg13 : memref<!tpu.dma_semaphore, #tpu.memory_space<semaphore_mem>>) src(%dma_wait3A_52 : memref<4100x2048xf32, #tpu.memory_space<hbm>>) dst(%arg7 : memref<8x2048xf32, #tpu.memory_space<vmem>>)
    %add3A_53 = arith.constant 1016 : i32
    %add3A_54 = arith.addi %mul3A_2, %add3A_53 : i32
    %dma_start3A_55 = arith.constant 0 : i32
    %dma_start3A_56 = tpu.memref_slice %arg4[%add3A_54, %dma_start3A_55] : memref<32768x2048xf32, #tpu.memory_space<hbm>> -> memref<8x2048xf32, #tpu.memory_space<hbm>>
    %dma_start3A_57 = arith.constant 0 : i32
    %dma_start3A_58 = tpu.memref_slice %arg4[%add3A_54, %dma_start3A_57] : memref<32768x2048xf32, #tpu.memory_space<hbm>> -> memref<8x2048xf32, #tpu.memory_space<hbm>>
    tpu.enqueue_dma source(%arg7 : memref<8x2048xf32, #tpu.memory_space<vmem>>) target(%dma_start3A_58 : memref<8x2048xf32, #tpu.memory_space<hbm>>) target_semaphore(%arg19 : memref<!tpu.dma_semaphore, #tpu.memory_space<semaphore_mem>>)
    %add3A_59 = arith.constant 1008 : i32
    %add3A_60 = arith.addi %mul3A_2, %add3A_59 : i32
    %dma_wait3A_61 = arith.constant 0 : i32
    %dma_wait3A_62 = tpu.memref_slice %arg4[%add3A_60, %dma_wait3A_61] : memref<32768x2048xf32, #tpu.memory_space<hbm>> -> memref<8x2048xf32, #tpu.memory_space<hbm>>
    %dma_wait3A_63 = arith.constant 0 : i32
    %dma_wait3A_64 = tpu.memref_slice %arg4[%add3A_60, %dma_wait3A_63] : memref<32768x2048xf32, #tpu.memory_space<hbm>> -> memref<8x2048xf32, #tpu.memory_space<hbm>>
    tpu.wait_dma2 semaphore(%arg18 : memref<!tpu.dma_semaphore, #tpu.memory_space<semaphore_mem>>) src(%arg6 : memref<8x2048xf32, #tpu.memory_space<vmem>>) dst(%dma_wait3A_64 : memref<8x2048xf32, #tpu.memory_space<hbm>>)
    %add3A_65 = arith.constant 1016 : i32
    %add3A_66 = arith.addi %mul3A_2, %add3A_65 : i32
    %dma_wait3A_67 = arith.constant 0 : i32
    %dma_wait3A_68 = tpu.memref_slice %arg4[%add3A_66, %dma_wait3A_67] : memref<32768x2048xf32, #tpu.memory_space<hbm>> -> memref<8x2048xf32, #tpu.memory_space<hbm>>
    %dma_wait3A_69 = arith.constant 0 : i32
    %dma_wait3A_70 = tpu.memref_slice %arg4[%add3A_66, %dma_wait3A_69] : memref<32768x2048xf32, #tpu.memory_space<hbm>> -> memref<8x2048xf32, #tpu.memory_space<hbm>>
    tpu.wait_dma2 semaphore(%arg19 : memref<!tpu.dma_semaphore, #tpu.memory_space<semaphore_mem>>) src(%arg7 : memref<8x2048xf32, #tpu.memory_space<vmem>>) dst(%dma_wait3A_70 : memref<8x2048xf32, #tpu.memory_space<hbm>>)
    %add3A_71 = arith.constant 976 : i32
    %add3A_72 = arith.addi %mul3A_2, %add3A_71 : i32
    %dma_wait3A_73 = arith.constant 0 : i32
    %dma_wait3A_74 = tpu.memref_slice %arg4[%add3A_72, %dma_wait3A_73] : memref<32768x2048xf32, #tpu.memory_space<hbm>> -> memref<8x2048xf32, #tpu.memory_space<hbm>>
    %dma_wait3A_75 = arith.constant 0 : i32
    %dma_wait3A_76 = tpu.memref_slice %arg4[%add3A_72, %dma_wait3A_75] : memref<32768x2048xf32, #tpu.memory_space<hbm>> -> memref<8x2048xf32, #tpu.memory_space<hbm>>
    tpu.wait_dma2 semaphore(%arg20 : memref<!tpu.dma_semaphore, #tpu.memory_space<semaphore_mem>>) src(%arg8 : memref<8x2048xf32, #tpu.memory_space<vmem>>) dst(%dma_wait3A_76 : memref<8x2048xf32, #tpu.memory_space<hbm>>)
    %add3A_77 = arith.constant 984 : i32
    %add3A_78 = arith.addi %mul3A_2, %add3A_77 : i32
    %dma_wait3A_79 = arith.constant 0 : i32
    %dma_wait3A_80 = tpu.memref_slice %arg4[%add3A_78, %dma_wait3A_79] : memref<32768x2048xf32, #tpu.memory_space<hbm>> -> memref<8x2048xf32, #tpu.memory_space<hbm>>
    %dma_wait3A_81 = arith.constant 0 : i32
    %dma_wait3A_82 = tpu.memref_slice %arg4[%add3A_78, %dma_wait3A_81] : memref<32768x2048xf32, #tpu.memory_space<hbm>> -> memref<8x2048xf32, #tpu.memory_space<hbm>>
    tpu.wait_dma2 semaphore(%arg21 : memref<!tpu.dma_semaphore, #tpu.memory_space<semaphore_mem>>) src(%arg9 : memref<8x2048xf32, #tpu.memory_space<vmem>>) dst(%dma_wait3A_82 : memref<8x2048xf32, #tpu.memory_space<hbm>>)
    %add3A_83 = arith.constant 992 : i32
    %add3A_84 = arith.addi %mul3A_2, %add3A_83 : i32
    %dma_wait3A_85 = arith.constant 0 : i32
    %dma_wait3A_86 = tpu.memref_slice %arg4[%add3A_84, %dma_wait3A_85] : memref<32768x2048xf32, #tpu.memory_space<hbm>> -> memref<8x2048xf32, #tpu.memory_space<hbm>>
    %dma_wait3A_87 = arith.constant 0 : i32
    %dma_wait3A_88 = tpu.memref_slice %arg4[%add3A_84, %dma_wait3A_87] : memref<32768x2048xf32, #tpu.memory_space<hbm>> -> memref<8x2048xf32, #tpu.memory_space<hbm>>
    tpu.wait_dma2 semaphore(%arg22 : memref<!tpu.dma_semaphore, #tpu.memory_space<semaphore_mem>>) src(%arg10 : memref<8x2048xf32, #tpu.memory_space<vmem>>) dst(%dma_wait3A_88 : memref<8x2048xf32, #tpu.memory_space<hbm>>)
    %add3A_89 = arith.constant 1000 : i32
    %add3A_90 = arith.addi %mul3A_2, %add3A_89 : i32
    %dma_wait3A_91 = arith.constant 0 : i32
    %dma_wait3A_92 = tpu.memref_slice %arg4[%add3A_90, %dma_wait3A_91] : memref<32768x2048xf32, #tpu.memory_space<hbm>> -> memref<8x2048xf32, #tpu.memory_space<hbm>>
    %dma_wait3A_93 = arith.constant 0 : i32
    %dma_wait3A_94 = tpu.memref_slice %arg4[%add3A_90, %dma_wait3A_93] : memref<32768x2048xf32, #tpu.memory_space<hbm>> -> memref<8x2048xf32, #tpu.memory_space<hbm>>
    tpu.wait_dma2 semaphore(%arg23 : memref<!tpu.dma_semaphore, #tpu.memory_space<semaphore_mem>>) src(%arg11 : memref<8x2048xf32, #tpu.memory_space<vmem>>) dst(%dma_wait3A_94 : memref<8x2048xf32, #tpu.memory_space<hbm>>)
    return
  }
}

</mosaic_0001>

<sc_bundles>
// kernel: _run.3.cloned.1.call-start
scs
__scs_entry_jumppad:
0x0: {  	(pc) =	sbr.rel $0x88, $3  }
0x1: {  	(tag) =	ssettag $0x0;
	lr =	simm.s32 $0x1  }
0x2: {  	[smem:$0x3F9F] =	sst lr;
	_ =	strace $0xD0000000  }
0x3: {  	_ = 	snop  }
0x4: {  	_ = 	snop  }
0x5: {  	_ = 	snop  }
0x6: {  	_ = 	snop  }
0x7: {  	_ = 	snop  }
__scs_overlays_trampoline_lowered:
0x8: {  	[smem:$0x3FAE] =	sst s0  }
0x9: {  	[smem:$0x3FAF] =	sst s1  }
0xa: {  	[smem:$0x3FB0] =	sst s2  }
0xb: {  	[smem:$0x3FB1] =	sst s3  }
0xc: {  	[smem:$0x3FB2] =	sst s4  }
0xd: {  	[smem:$0x3FB3] =	sst s5  }
0xe: {  	[smem:$0x3FB4] =	sst s6  }
0xf: {  	[smem:$0x3FB5] =	sst s7  }
0x10: {  	[smem:$0x3FB6] =	sst s8  }
0x11: {  	[smem:$0x3FB7] =	sst s9;
	s0 =	simm.s32 @!p0 $0x0  }
0x12: {  	s1 =	sld [smem:$0x3F9D];
	s0 =	simm.s32 @p0 $0x1  }
0x13: {  	[smem:$0x3FB8] =	sst s0;
	s0 =	simm.s32 @!p1 $0x0  }
0x14: {  	s2 =	sld [smem:$0x3F9C];
	s0 =	simm.s32 @p1 $0x1  }
0x15: {  	[smem:$0x3FB9] =	sst s0;
	s0 =	simm.s32 @!p2 $0x0  }
0x16: {  	s3 =	sld [smem:$0x3FDB];
	s0 =	simm.s32 @p2 $0x1  }
0x17: {  	s4 =	simm.s32 $0x1BF5;
	[smem:$0x3FBB] =	sst s0  }
0x18: {  	s0 =	sld [smem:$0x3F9E];
	_ =	swait.ge [sflag:s4], $0x0  }
0x19: {  	s7 =	sld [smem:$0x3F9F]  }
0x1a: {  	s8 =	sadd.s32 $0xFFFFE003, lr  }
0x1b: {  	s9 =	sadd.s32 $0xFFFFFEF7, lr;
	s5 =	simm.s32 $0xFFFFFFFF;
	p2 =	slt.u32 s8, $0xFFFFF086  }
0x1c: {  	p1 =	slt.u32 s9, $0xF7A;
	s5 =	simm.s32 @!p2 $0x0  }
0x1d: {  	s5 =	simm.s32 @p1 $0x1;
	p0 =	seq.s32 s7, s2  }
0x1e: {  	s7 =	smul.u32 @!p0 $0xF7A, s2;
	p2 =	seq.s32 @!p0 s5, $0x0  }
0x1f: {  	s9 =	smul.u32 $0xF7A, s1;
	s8 =	simm.s32 @!p0 $0x1BF5;
	p2 =	por !p2, p0  }
0x20: {  	[sflag:s8] =	ssyncset.s32 @!p0 $0xFFFFF086;
	s6 =	sadd.s32 @!p0 s3, s7;
	s7 =	simm.s32 @!p0 $0x108  }
0x21: {  	s3 =	sadd.s32 s3, s9;
	s6 =	sadd.s32 @!p0 $0x88, s6;
	s7 =	simm.s32 @p2 $0x1082  }
0x22: {  	[simem:s7], [sflag:s8] =	dma.local @!p0 [hbm:s6], $0xF7A  }
0x23: {  	s9 =	sor.u32 $0xD0000000, s2;
	s6 =	simm.s32 $0x108;
	_ =	swait.ge @!p0 [sflag:s8], $0x0  }
0x24: {  	s3 =	sadd.s32 $0x88, s3;
	s6 =	simm.s32 @!p1 $0x1082;
	[sflag:s4] =	ssyncset.s32 $0xFFFFF086  }
0x25: {  	[simem:s6], [sflag:s4] =	dma.local [hbm:s3], $0xF7A  }
0x26: {  	[smem:$0x3F9F] =	sst s1;
	(tag) =	ssettag s2;
	_ =	strace s9  }
0x27: {  	s1 =	sld [smem:$0x3FAF]  }
0x28: {  	s2 =	sld [smem:$0x3FB0]  }
0x29: {  	s4 =	sld [smem:$0x3FB2]  }
0x2a: {  	p0 =	seq.s32 s5, $0x0;
	s5 =	sld [smem:$0x3FB3]  }
0x2b: {  	s6 =	sld [smem:$0x3FB4]  }
0x2c: {  	s7 =	sld [smem:$0x3FB5]  }
0x2d: {  	s3 =	simm.s32 $0x108;
	s8 =	sld [smem:$0x3FB6]  }
0x2e: {  	s3 =	simm.s32 @!p0 $0x1082;
	s9 =	sld [smem:$0x3FB7]  }
0x2f: {  	lr =	sadd.s32 s0, s3;
	s0 =	sld [smem:$0x3FAE]  }
0x30: {  	s3 =	sld [smem:$0x3FB1]  }
0x31: {  	[smem:$0x3FBA] =	sst s10  }
0x32: {  	s10 =	sld [smem:$0x3FB8];
	_ =	sdelay $0x3  }
0x33: {  	p0 =	seq.s32 s10, $0x1;
	s10 =	sld [smem:$0x3FBA];
	_ =	sdelay $0x3  }
0x34: {  	[smem:$0x3FBA] =	sst s10  }
0x35: {  	s10 =	sld [smem:$0x3FB9];
	_ =	sdelay $0x3  }
0x36: {  	p1 =	seq.s32 s10, $0x1;
	s10 =	sld [smem:$0x3FBA];
	_ =	sdelay $0x3  }
0x37: {  	[smem:$0x3FBA] =	sst s10  }
0x38: {  	s10 =	sld [smem:$0x3FBB]  }
0x39: {  	_ = 	snop;
	(pc) =	sbr.ind lr, $3  }
0x3a: {  	_ = 	snop  }
0x3b: {  	_ = 	snop  }
0x3c: {  	p2 =	seq.s32 s10, $0x1;
	s10 =	sld [smem:$0x3FBA]  }
0x3d: {  	_ =	shalt  }
0x3e: {  	_ =	shalt  }
0x3f: {  	_ =	shalt  }
0x40: {  	_ =	shalt  }
0x41: {  	_ =	shalt  }
0x42: {  	_ =	shalt  }
0x43: {  	_ =	shalt  }
0x44: {  	_ =	shalt  }
0x45: {  	_ =	shalt  }
0x46: {  	_ =	shalt  }
0x47: {  	_ =	shalt  }
0x48: {  	_ =	shalt  }
0x49: {  	_ =	shalt  }
0x4a: {  	_ =	shalt  }
0x4b: {  	_ =	shalt  }
0x4c: {  	_ =	shalt  }
0x4d: {  	_ =	shalt  }
0x4e: {  	_ =	shalt  }
0x4f: {  	_ =	shalt  }
0x50: {  	_ =	shalt  }
0x51: {  	_ =	shalt  }
0x52: {  	_ =	shalt  }
0x53: {  	_ =	shalt  }
0x54: {  	_ =	shalt  }
0x55: {  	_ =	shalt  }
0x56: {  	_ =	shalt  }
0x57: {  	_ =	shalt  }
0x58: {  	_ =	shalt  }
0x59: {  	_ =	shalt  }
0x5a: {  	_ =	shalt  }
0x5b: {  	_ =	shalt  }
0x5c: {  	_ =	shalt  }
0x5d: {  	_ =	shalt  }
0x5e: {  	_ =	shalt  }
0x5f: {  	_ =	shalt  }
0x60: {  	_ =	shalt  }
0x61: {  	_ =	shalt  }
0x62: {  	_ =	shalt  }
0x63: {  	_ =	shalt  }
0x64: {  	_ =	shalt  }
0x65: {  	_ =	shalt  }
0x66: {  	_ =	shalt  }
0x67: {  	_ =	shalt  }
0x68: {  	_ =	shalt  }
0x69: {  	_ =	shalt  }
0x6a: {  	_ =	shalt  }
0x6b: {  	_ =	shalt  }
0x6c: {  	_ =	shalt  }
0x6d: {  	_ =	shalt  }
0x6e: {  	_ =	shalt  }
0x6f: {  	_ =	shalt  }
0x70: {  	_ =	shalt  }
0x71: {  	_ =	shalt  }
0x72: {  	_ =	shalt  }
0x73: {  	_ =	shalt  }
0x74: {  	_ =	shalt  }
0x75: {  	_ =	shalt  }
0x76: {  	_ =	shalt  }
0x77: {  	_ =	shalt  }
0x78: {  	_ =	shalt  }
0x79: {  	_ =	shalt  }
0x7a: {  	_ =	shalt  }
0x7b: {  	_ =	shalt  }
0x7c: {  	_ =	shalt  }
0x7d: {  	_ =	shalt  }
0x7e: {  	_ =	shalt  }
0x7f: {  	_ =	shalt  }
0x80: {  	_ =	shalt  }
0x81: {  	_ =	shalt  }
0x82: {  	_ =	shalt  }
0x83: {  	_ =	shalt  }
0x84: {  	_ =	shalt  }
0x85: {  	_ =	shalt  }
0x86: {  	_ =	shalt  }
0x87: {  	_ =	shalt  }
.Lfunc_end0:
.L_simem_size_0:
called_computation_lowered:
.L_overlay_start_0:
0x88: {  	s2 =	sld [smem:$0x3FD9]  }
0x89: {  	s3 =	sld [smem:$0x3FFE];
	_ =	sdelay $0x1  }
0x8a: {  	s1 =	srdreg.scid  }
0x8b: {  	s0 =	sand.u32 $0x1, s1  }
0x8c: {  	s17 =	sshll.u32 s0, $0xA;
	s2 =	sadd.s32 s3, s2  }
0x8d: {  	s2 =	sadd.s32 s2, s17  }
0x8e: {  	[smem:$0x3FC6] =	sst s2  }
0x8f: {  	_ = 	snop  }
0x90: {  	s2 =	sld [smem:$0x3FC8]  }
0x91: {  	s18 =	sld [smem:$0x3FD0];
	(tm) =	ssettm $0x1  }
0x92: {  	s4 =	sld [smem:$0x3FFB];
	_ =	sdelay $0x3  }
0x93: {  	_ =	strace s4  }
0x94: {  	s4 =	sld [smem:$0x3FFC];
	_ =	sdelay $0x3  }
0x95: {  	_ =	strace s4  }
0x96: {  	s4 =	sld [smem:$0x3FFD];
	_ =	sdelay $0x3  }
0x97: {  	_ =	strace s4  }
0x98: {  	_ =	strace $0x8FFFFFFF  }
0x99: {  	s19 =	sld [smem:$0x3FDB];
	_ =	sdelay $0x1  }
0x9a: {  	s5 =	simm.s32 $_scs_section_size  }
0x9b: {  	s6 =	simm.s32 $_size__tile_overlayer_lowered;
	s7 =	simm.s32 $_tile_overlayer_lowered  }
0x9c: {  	s22 =	simm.s32 $0x1BFF;
	s21 =	sshll.u32 s7, $0x1;
	s4 =	sadd.s32 s5, s19  }
0x9d: {  	s8 =	simm.s32 $0x0;
	s20 =	sshll.u32 s6, $0x1;
	s6 =	sadd.s32 s21, s4  }
0x9e: {  	[timem:s8], [sflag:s22] =	dma.local [hbm:s6], s20  }
0x9f: {  	_ =	swait.ge [sflag:s22], s20  }
0xa0: {  	s5 =	ssub.s32 $0x0, s20;
	[sflag:s22] =	ssyncset.done $0x0  }
0xa1: {  	[sflag:s22] =	ssyncadd.s32 s5;
	_ =	sdelay $0x1  }
0xa2: {  	s23 =	simm.s32 $0x1B8B  }
0xa3: {  	_ =	swait.ge [sflag:s23], $0x1  }
0xa4: {  	[sflag:s23] =	ssyncset.done $0x0  }
0xa5: {  	s25 =	simm.s32 $0x1B8E;
	s24 =	sld [smem:$0x3FFE];
	[sflag:s23] =	ssyncadd.s32 $0xFFFFFFFF  }
0xa6: {  	s26 =	simm.s32 $execute0_lowered;
	[smem:$0x3FD2] =	sst s25  }
0xa7: {  	s6 =	sshll.u32 s26, $0x1;
	_ =	strace $0x80000046;
	[dreg:$0x1] =	wrdreg $0xFFFFFFFF  }
0xa8: {  	s28 =	simm.s32 $_size_execute0_lowered;
	s4 =	sadd.s32 s4, s6;
	[dreg:$0x0] =	wrdreg $0x0  }
0xa9: {  	s6 =	sshll.u32 s28, $0x1;
	[dreg:$0x2] =	wrdreg s4  }
0xaa: {  	[dreg:$0x3] =	wrdreg s6  }
0xab: {  	[dreg:$0x4] =	wrdreg $0xC0  }
0xac: {  	_ =	task [dreg:s8], $0x5FFFF  }
0xad: {  	[dreg:$0x1] =	wrdreg $0xFFFFFFFF  }
0xae: {  	[dreg:$0x0] =	wrdreg $0x60  }
0xaf: {  	[dreg:$0x2] =	wrdreg s24  }
0xb0: {  	[dreg:$0x3] =	wrdreg s2  }
0xb1: {  	[dreg:$0x4] =	wrdreg s18  }
0xb2: {  	[dreg:$0x5] =	wrdreg $0x9  }
0xb3: {  	_ =	task.clear_ibuf [dreg:s8], $0x6FFFF;
	_ =	strace $0x90000046  }
0xb4: {  	s29 =	simm.s32 $0x9;
	_ =	strace $0x80000048  }
0xb5: {  	_ =	swait.ge [sflag:s29], $0x1  }
0xb6: {  	[sflag:s29] =	ssyncadd.s32 $0xFFFFFFFF  }
0xb7: {  	_ =	strace $0x90000048  }
0xb8: {  	_ =	sfence  }
0xb9: {  	s30 =	sld [smem:$0x0];
	_ =	sdelay $0x2  }
0xba: {  	s31 =	sshll.u32 s1, $0xD;
	s1 =	sshrl.u32 s1, $0x2  }
0xbb: {  	s3 =	sand.u32 $0x4000, s31;
	s1 =	sadd.s32 s1, s30  }
0xbc: {  	s0 =	sor.u32 s3, s0;
	s1 =	sshll.u32 s1, $0x11  }
0xbd: {  	s0 =	sor.u32 s1, s0  }
0xbe: {  	s0 =	sadd.s32 $0x8F2B, s0  }
0xbf: {  	[sflag:s0] =	ssyncadd.remote.s32 $0x1  }
0xc0: {  	_ =	sfence.sel $0xFFFF  }
0xc1: {  	[dreg:$0x0] =	wrdreg $0xFFFFFFFF;
	(pc) =	sbr.abs _section_cstart, $3  }
0xc2: {  	[dreg:$0x1] =	wrdreg $0xFFFFFFFF  }
0xc3: {  	_ =	task.clear_ibuf [dreg:s8], $0x2FFFF;
	_ =	strace $0x9FFFFFFF  }
0xc4: {  	(tm) =	ssettm $0x7FFFFFFF  }
0xc5: {  	_ =	shalt  }
tec
execute0_lowered:
.L_overlay_start_1:
0x0: {  	(tag) =	ssettag $0x1  }
0x1: {  	s0 =	rddreg [dreg:$0x0]  }
0x2: {  	s2 =	rddreg [dreg:$0x1]  }
0x3: {  	s1 =	rddreg [dreg:$0x2];
	s3 =	simm.s32 $0x0  }
0x4: {  	s9 =	simm.s32 $0xC800;
	[smem:$0x7FF] =	sst s3  }
0x5: {  	s10 =	simm.s32 $0xD000;
	_ =	strace $0x80000047;
	[dreg:$0x5] =	wrdreg s9  }
0x6: {  	s11 =	simm.s32 $0xD800;
	[dreg:$0x6] =	wrdreg s10  }
0x7: {  	s4 =	srdreg.scid;
	s13 =	simm.s32 $0xE000;
	[dreg:$0x7] =	wrdreg s11  }
0x8: {  	s7 =	stileid.u32;
	s14 =	simm.s32 $0xE800;
	[dreg:$0x8] =	wrdreg s13  }
0x9: {  	s16 =	simm.s32 $0xF000;
	s17 =	simm.s32 $0xF800;
	[dreg:$0x9] =	wrdreg s14  }
0xa: {  	s18 =	simm.s32 $0x10800;
	s19 =	simm.s32 $0x11000;
	[dreg:$0xa] =	wrdreg s16  }
0xb: {  	s20 =	simm.s32 $0x11800;
	s21 =	simm.s32 $0x12000;
	[dreg:$0xb] =	wrdreg s17  }
0xc: {  	s22 =	simm.s32 $0x12800;
	s23 =	simm.s32 $0x13000;
	[dreg:$0xc] =	wrdreg s18  }
0xd: {  	s24 =	simm.s32 $0x13800;
	s25 =	simm.s32 $0x14800;
	[dreg:$0xd] =	wrdreg s19  }
0xe: {  	s26 =	simm.s32 $0x15000;
	s28 =	simm.s32 $0x5800;
	[dreg:$0xe] =	wrdreg s20  }
0xf: {  	s29 =	simm.s32 $0x6000;
	s30 =	simm.s32 $0x6800;
	[dreg:$0xf] =	wrdreg s21  }
0x10: {  	s31 =	simm.s32 $0x7000;
	s4 =	sand.u32 $0x1, s4;
	[dreg:$0x10] =	wrdreg s22  }
0x11: {  	s5 =	sshll.u32 s7, $0x13;
	s8 =	sshll.u32 s7, $0x1;
	[dreg:$0x11] =	wrdreg s23  }
0x12: {  	s7 =	sadd.s32 $0x300, s2;
	s5 =	sadd.s32 s5, s1;
	[dreg:$0x12] =	wrdreg s24  }
0x13: {  	s6 =	sshll.u32 s4, $0x12;
	s12 =	sor.u32 s4, s8;
	[dreg:$0x13] =	wrdreg s25  }
0x14: {  	s4 =	ssub.s32 $0x2, s4;
	[dreg:$0x14] =	wrdreg s26;
	s13 =	simm.s32 $0x15800  }
0x15: {  	s8 =	sadd.s32 $0x400, s2;
	s14 =	simm.s32 $0x16000;
	[dreg:$0x15] =	wrdreg s13  }
0x16: {  	s9 =	sadd.s32 $0x500, s2;
	s17 =	simm.s32 $0x17000;
	[dreg:$0x16] =	wrdreg s14  }
0x17: {  	s10 =	sadd.s32 $0x600, s2;
	s18 =	simm.s32 $0x17800;
	[dreg:$0x18] =	wrdreg s17  }
0x18: {  	s11 =	sadd.s32 $0x700, s2;
	s19 =	simm.s32 $0x18800;
	[dreg:$0x19] =	wrdreg s18  }
0x19: {  	s25 =	simm.s32 $0x4800;
	s20 =	simm.s32 $0x19000;
	[dreg:$0x1a] =	wrdreg s19  }
0x1a: {  	s21 =	simm.s32 $0x19800;
	s22 =	simm.s32 $0x1A000;
	[dreg:$0x1b] =	wrdreg s20  }
0x1b: {  	s23 =	simm.s32 $0x1A800;
	s24 =	simm.s32 $0x1B000;
	[dreg:$0x1c] =	wrdreg s21  }
0x1c: {  	s26 =	simm.s32 $0x1B800;
	s5 =	sadd.s32 s6, s5;
	[dreg:$0x1d] =	wrdreg s22  }
0x1d: {  	s6 =	sshll.u32 s12, $0xB;
	s15 =	sshrl.u32 s4, $0x1;
	[dreg:$0x1e] =	wrdreg s23  }
0x1e: {  	s12 =	sshll.u32 s12, $0x12;
	[dreg:$0x1f] =	wrdreg s24;
	s24 =	simm.s32 $0x8000  }
0x1f: {  	[smem:$0x7FD] =	sst s26;
	s13 =	simm.s32 $0x18000;
	s14 =	simm.s32 $0x1  }
0x20: {  	s17 =	simm.s32 $0x3;
	s18 =	simm.s32 $0x4;
	s19 =	simm.s32 $0x5  }
0x21: {  	s20 =	simm.s32 $0x6;
	s22 =	simm.s32 $0x0;
	[dreg:$0x4] =	wrdreg s5  }
0x22: {  	s0 =	sadd.s32 s6, s0;
	s4 =	ssub.s32 s4, s15;
	s15 =	simm.s32 $0x16800  }
0x23: {  	s1 =	sadd.s32 s12, s1;
	s0 =	sadd.s32 $0x400, s0;
	[dreg:$0x17] =	wrdreg s15  }
0x24: {  	s26 =	simm.s32 $0x5000;
	s12 =	sadd.s32 $0x3F000, s1;
	[smem:$0x7F9] =	sst s0  }
0x25: {  	s5 =	sadd.s32 $0x100, s2;
	s1 =	sadd.s32 $0x3F800, s1;
	[smem:$0x7FA] =	sst s12  }
0x26: {  	v0 =	vlaneseq.u32;
	s6 =	sadd.s32 $0x200, s2;
	s16 =	smax.u32 s4, $0x1;
	[smem:$0x7FB] =	sst s1  }
0x27: {  	v1 =	vshrl.u32 v0, $0x3;
	s4 =	simm.s32 $0x10000;
	s15 =	simm.s32 $0x2;
	[smem:$0x7FC] =	sst s16  }
0x28: {  	vm0 =	vmmov $0xffff;
	v0 =	vand.u32 $0x7, v0;
	v1 =	vmul.u32 $0x8, v1;
	s16 =	simm.s32 $0x4000;
	s1 =	simm.s32 $0xC000;
	s12 =	simm.s32 $0x14000  }
.LBB2_1:
0x29: {  	s21 =	sld [smem:$0x7F9];
	_ =	sdelay $0x1  }
0x2a: {  	[smem:$0x7F8] =	sst s22;
	s23 =	simm.s32 $0xD  }
0x2b: {  	[tilespmem:s3], [sflag:$0xD] =	stream.linear.gather [hbm4b:s21+s3], $0x4000, $0x38;
	[tilespmem:$0x1C000] =	vst v63  }
0x2c: {  	_ =	swait.ge [sflag:s23], $0x4000  }
0x2d: {  	s0 =	simm.s32 $0x7800;
	[sflag:s23] =	ssyncset.done $0x0  }
0x2e: {  	s22 =	simm.s32 $0x0;
	s21 =	simm.s32 $0x180;
	[sflag:s23] =	ssyncadd.s32 $0xFFFFC000  }
.LBB2_2:
0x2f: {  	p0 =	seq.s32 s22, $0x0  }
0x30: {  	s23 =	simm.s32 @!p0 $0x7  }
0x31: {  	_ =	swait.ge @!p0 [sflag:s23], $0x4000  }
0x32: {  	[sflag:s23] =	ssyncset.done @!p0 $0x0  }
0x33: {  	[sflag:s23] =	ssyncadd.s32 @!p0 $0xFFFFC000  }
0x34: {  	v2 =	vld.msk [tilespmem:s21+$0xFFFFFE80], $0xff;
	_ =	sdelay $0x4  }
0x35: {  	v3 =	vshll.u32 v2, $0x4  }
0x36: {  	v2 =	vand.u32 $0x7, v2;
	v3 =	vand.u32 $0xFFFFFF80, v3  }
0x37: {  	v2 =	vor.u32 v2, v3  }
0x38: {  	v2 =	vperm.xlane v2, v0;
	_ =	sdelay $0x1  }
0x39: {  	v2 =	vadd.s32 v1, v2;
	_ =	sdelay $0x4  }
0x3a: {  	[tilespmem:s16], [sflag:$0x1] =	stream.indirect_vreg.gather [hbm4b:s2+s3], $0x80, v2, vm0, $0xb8;
	[tilespmem:$0x1C000] =	vst v63  }
0x3b: {  	_ = 	snop  }
0x3c: {  	[tilespmem:s25], [sflag:$0x1] =	stream.indirect_vreg.gather [hbm4b:s5+s3], $0x80, v2, vm0, $0xb8;
	[tilespmem:$0x1C000] =	vst v63  }
0x3d: {  	_ = 	snop  }
0x3e: {  	[tilespmem:s26], [sflag:$0x1] =	stream.indirect_vreg.gather [hbm4b:s6+s3], $0x80, v2, vm0, $0xb8;
	[tilespmem:$0x1C000] =	vst v63  }
0x3f: {  	_ = 	snop  }
0x40: {  	[tilespmem:s28], [sflag:$0x1] =	stream.indirect_vreg.gather [hbm4b:s7+s3], $0x80, v2, vm0, $0xb8;
	[tilespmem:$0x1C000] =	vst v63  }
0x41: {  	_ = 	snop  }
0x42: {  	[tilespmem:s29], [sflag:$0x1] =	stream.indirect_vreg.gather [hbm4b:s8+s3], $0x80, v2, vm0, $0xb8;
	[tilespmem:$0x1C000] =	vst v63  }
0x43: {  	_ = 	snop  }
0x44: {  	[tilespmem:s30], [sflag:$0x1] =	stream.indirect_vreg.gather [hbm4b:s9+s3], $0x80, v2, vm0, $0xb8;
	[tilespmem:$0x1C000] =	vst v63  }
0x45: {  	_ = 	snop  }
0x46: {  	[tilespmem:s31], [sflag:$0x1] =	stream.indirect_vreg.gather [hbm4b:s10+s3], $0x80, v2, vm0, $0xb8;
	[tilespmem:$0x1C000] =	vst v63  }
0x47: {  	s23 =	simm.s32 @!p0 $0x8  }
0x48: {  	[tilespmem:s0], [sflag:$0x1] =	stream.indirect_vreg.gather [hbm4b:s11+s3], $0x80, v2, vm0, $0xb8;
	[tilespmem:$0x1C000] =	vst v63  }
0x49: {  	_ =	swait.ge @!p0 [sflag:s23], $0x4000  }
0x4a: {  	[sflag:s23] =	ssyncset.done @!p0 $0x0  }
0x4b: {  	[sflag:s23] =	ssyncadd.s32 @!p0 $0xFFFFC000  }
0x4c: {  	v2 =	vld.msk [tilespmem:s21+$0xFFFFFF00], $0xff;
	_ =	sdelay $0x4  }
0x4d: {  	v3 =	vshll.u32 v2, $0x4  }
0x4e: {  	v2 =	vand.u32 $0x7, v2;
	v3 =	vand.u32 $0xFFFFFF80, v3  }
0x4f: {  	v2 =	vor.u32 v2, v3  }
0x50: {  	v2 =	vperm.xlane v2, v0;
	_ =	sdelay $0x1  }
0x51: {  	v2 =	vadd.s32 v1, v2;
	_ =	sdelay $0x4  }
0x52: {  	[tilespmem:s24], [sflag:$0x2] =	stream.indirect_vreg.gather [hbm4b:s2+s3], $0x80, v2, vm0, $0xb8;
	[tilespmem:$0x1C000] =	vst v63  }
0x53: {  	s25 =	simm.s32 $0x8800  }
0x54: {  	[tilespmem:s25], [sflag:$0x2] =	stream.indirect_vreg.gather [hbm4b:s5+s3], $0x80, v2, vm0, $0xb8;
	[tilespmem:$0x1C000] =	vst v63  }
0x55: {  	s25 =	simm.s32 $0x9000  }
0x56: {  	[tilespmem:s25], [sflag:$0x2] =	stream.indirect_vreg.gather [hbm4b:s6+s3], $0x80, v2, vm0, $0xb8;
	[tilespmem:$0x1C000] =	vst v63  }
0x57: {  	s25 =	simm.s32 $0x9800  }
0x58: {  	[tilespmem:s25], [sflag:$0x2] =	stream.indirect_vreg.gather [hbm4b:s7+s3], $0x80, v2, vm0, $0xb8;
	[tilespmem:$0x1C000] =	vst v63  }
0x59: {  	s25 =	simm.s32 $0xA000  }
0x5a: {  	[tilespmem:s25], [sflag:$0x2] =	stream.indirect_vreg.gather [hbm4b:s8+s3], $0x80, v2, vm0, $0xb8;
	[tilespmem:$0x1C000] =	vst v63  }
0x5b: {  	s25 =	simm.s32 $0xA800  }
0x5c: {  	[tilespmem:s25], [sflag:$0x2] =	stream.indirect_vreg.gather [hbm4b:s9+s3], $0x80, v2, vm0, $0xb8;
	[tilespmem:$0x1C000] =	vst v63  }
0x5d: {  	s25 =	simm.s32 $0xB000  }
0x5e: {  	[tilespmem:s25], [sflag:$0x2] =	stream.indirect_vreg.gather [hbm4b:s10+s3], $0x80, v2, vm0, $0xb8;
	[tilespmem:$0x1C000] =	vst v63  }
0x5f: {  	s23 =	simm.s32 @!p0 $0x9;
	s25 =	simm.s32 $0xB800  }
0x60: {  	[tilespmem:s25], [sflag:$0x2] =	stream.indirect_vreg.gather [hbm4b:s11+s3], $0x80, v2, vm0, $0xb8;
	[tilespmem:$0x1C000] =	vst v63  }
0x61: {  	_ =	swait.ge @!p0 [sflag:s23], $0x4000  }
0x62: {  	[sflag:s23] =	ssyncset.done @!p0 $0x0  }
0x63: {  	[sflag:s23] =	ssyncadd.s32 @!p0 $0xFFFFC000  }
0x64: {  	v2 =	vld.msk [tilespmem:s21+$0xFFFFFF80], $0xff;
	_ =	sdelay $0x4  }
0x65: {  	v3 =	vshll.u32 v2, $0x4  }
0x66: {  	v2 =	vand.u32 $0x7, v2;
	v3 =	vand.u32 $0xFFFFFF80, v3  }
0x67: {  	v2 =	vor.u32 v2, v3  }
0x68: {  	v2 =	vperm.xlane v2, v0;
	_ =	sdelay $0x1  }
0x69: {  	v2 =	vadd.s32 v1, v2;
	_ =	sdelay $0x4  }
0x6a: {  	[tilespmem:s1], [sflag:$0x3] =	stream.indirect_vreg.gather [hbm4b:s2+s3], $0x80, v2, vm0, $0xb8;
	[tilespmem:$0x1C000] =	vst v63  }
0x6b: {  	s23 =	rddreg [dreg:$0x5]  }
0x6c: {  	[tilespmem:s23], [sflag:$0x3] =	stream.indirect_vreg.gather [hbm4b:s5+s3], $0x80, v2, vm0, $0xb8;
	[tilespmem:$0x1C000] =	vst v63  }
0x6d: {  	s25 =	rddreg [dreg:$0x6]  }
0x6e: {  	[tilespmem:s25], [sflag:$0x3] =	stream.indirect_vreg.gather [hbm4b:s6+s3], $0x80, v2, vm0, $0xb8;
	[tilespmem:$0x1C000] =	vst v63  }
0x6f: {  	s23 =	rddreg [dreg:$0x7]  }
0x70: {  	[tilespmem:s23], [sflag:$0x3] =	stream.indirect_vreg.gather [hbm4b:s7+s3], $0x80, v2, vm0, $0xb8;
	[tilespmem:$0x1C000] =	vst v63  }
0x71: {  	s25 =	rddreg [dreg:$0x8]  }
0x72: {  	[tilespmem:s25], [sflag:$0x3] =	stream.indirect_vreg.gather [hbm4b:s8+s3], $0x80, v2, vm0, $0xb8;
	[tilespmem:$0x1C000] =	vst v63  }
0x73: {  	s23 =	rddreg [dreg:$0x9]  }
0x74: {  	[tilespmem:s23], [sflag:$0x3] =	stream.indirect_vreg.gather [hbm4b:s9+s3], $0x80, v2, vm0, $0xb8;
	[tilespmem:$0x1C000] =	vst v63  }
0x75: {  	s25 =	rddreg [dreg:$0xa]  }
0x76: {  	[tilespmem:s25], [sflag:$0x3] =	stream.indirect_vreg.gather [hbm4b:s10+s3], $0x80, v2, vm0, $0xb8;
	[tilespmem:$0x1C000] =	vst v63  }
0x77: {  	s23 =	rddreg [dreg:$0xb]  }
0x78: {  	[tilespmem:s23], [sflag:$0x3] =	stream.indirect_vreg.gather [hbm4b:s11+s3], $0x80, v2, vm0, $0xb8;
	[tilespmem:$0x1C000] =	vst v63  }
0x79: {  	s23 =	simm.s32 @!p0 $0xA  }
0x7a: {  	_ =	swait.ge @!p0 [sflag:s23], $0x4000  }
0x7b: {  	[sflag:s23] =	ssyncset.done @!p0 $0x0  }
0x7c: {  	[sflag:s23] =	ssyncadd.s32 @!p0 $0xFFFFC000  }
0x7d: {  	v2 =	vld.msk [tilespmem:s21+$0x0], $0xff;
	_ =	sdelay $0x4  }
0x7e: {  	v3 =	vshll.u32 v2, $0x4  }
0x7f: {  	v2 =	vand.u32 $0x7, v2;
	v3 =	vand.u32 $0xFFFFFF80, v3  }
0x80: {  	v2 =	vor.u32 v2, v3  }
0x81: {  	v2 =	vperm.xlane v2, v0;
	_ =	sdelay $0x1  }
0x82: {  	v2 =	vadd.s32 v1, v2;
	_ =	sdelay $0x4  }
0x83: {  	[tilespmem:s4], [sflag:$0x4] =	stream.indirect_vreg.gather [hbm4b:s2+s3], $0x80, v2, vm0, $0xb8;
	[tilespmem:$0x1C000] =	vst v63  }
0x84: {  	s23 =	rddreg [dreg:$0xc]  }
0x85: {  	[tilespmem:s23], [sflag:$0x4] =	stream.indirect_vreg.gather [hbm4b:s5+s3], $0x80, v2, vm0, $0xb8;
	[tilespmem:$0x1C000] =	vst v63  }
0x86: {  	s25 =	rddreg [dreg:$0xd]  }
0x87: {  	[tilespmem:s25], [sflag:$0x4] =	stream.indirect_vreg.gather [hbm4b:s6+s3], $0x80, v2, vm0, $0xb8;
	[tilespmem:$0x1C000] =	vst v63  }
0x88: {  	s23 =	rddreg [dreg:$0xe]  }
0x89: {  	[tilespmem:s23], [sflag:$0x4] =	stream.indirect_vreg.gather [hbm4b:s7+s3], $0x80, v2, vm0, $0xb8;
	[tilespmem:$0x1C000] =	vst v63  }
0x8a: {  	s25 =	rddreg [dreg:$0xf]  }
0x8b: {  	[tilespmem:s25], [sflag:$0x4] =	stream.indirect_vreg.gather [hbm4b:s8+s3], $0x80, v2, vm0, $0xb8;
	[tilespmem:$0x1C000] =	vst v63  }
0x8c: {  	s23 =	rddreg [dreg:$0x10]  }
0x8d: {  	[tilespmem:s23], [sflag:$0x4] =	stream.indirect_vreg.gather [hbm4b:s9+s3], $0x80, v2, vm0, $0xb8;
	[tilespmem:$0x1C000] =	vst v63  }
0x8e: {  	s25 =	rddreg [dreg:$0x11]  }
0x8f: {  	[tilespmem:s25], [sflag:$0x4] =	stream.indirect_vreg.gather [hbm4b:s10+s3], $0x80, v2, vm0, $0xb8;
	[tilespmem:$0x1C000] =	vst v63  }
0x90: {  	s23 =	rddreg [dreg:$0x12]  }
0x91: {  	[tilespmem:s23], [sflag:$0x4] =	stream.indirect_vreg.gather [hbm4b:s11+s3], $0x80, v2, vm0, $0xb8;
	[tilespmem:$0x1C000] =	vst v63  }
0x92: {  	s23 =	simm.s32 @!p0 $0xB  }
0x93: {  	_ =	swait.ge @!p0 [sflag:s23], $0x4000  }
0x94: {  	[sflag:s23] =	ssyncset.done @!p0 $0x0  }
0x95: {  	[sflag:s23] =	ssyncadd.s32 @!p0 $0xFFFFC000  }
0x96: {  	v2 =	vld.msk [tilespmem:s21+$0x80], $0xff;
	_ =	sdelay $0x4  }
0x97: {  	v3 =	vshll.u32 v2, $0x4  }
0x98: {  	v2 =	vand.u32 $0x7, v2;
	v3 =	vand.u32 $0xFFFFFF80, v3  }
0x99: {  	v2 =	vor.u32 v2, v3  }
0x9a: {  	v2 =	vperm.xlane v2, v0;
	_ =	sdelay $0x1  }
0x9b: {  	v2 =	vadd.s32 v1, v2;
	_ =	sdelay $0x4  }
0x9c: {  	[tilespmem:s12], [sflag:$0x5] =	stream.indirect_vreg.gather [hbm4b:s2+s3], $0x80, v2, vm0, $0xb8;
	[tilespmem:$0x1C000] =	vst v63  }
0x9d: {  	s23 =	rddreg [dreg:$0x13]  }
0x9e: {  	[tilespmem:s23], [sflag:$0x5] =	stream.indirect_vreg.gather [hbm4b:s5+s3], $0x80, v2, vm0, $0xb8;
	[tilespmem:$0x1C000] =	vst v63  }
0x9f: {  	s25 =	rddreg [dreg:$0x14]  }
0xa0: {  	[tilespmem:s25], [sflag:$0x5] =	stream.indirect_vreg.gather [hbm4b:s6+s3], $0x80, v2, vm0, $0xb8;
	[tilespmem:$0x1C000] =	vst v63  }
0xa1: {  	s23 =	rddreg [dreg:$0x15]  }
0xa2: {  	[tilespmem:s23], [sflag:$0x5] =	stream.indirect_vreg.gather [hbm4b:s7+s3], $0x80, v2, vm0, $0xb8;
	[tilespmem:$0x1C000] =	vst v63  }
0xa3: {  	s25 =	rddreg [dreg:$0x16]  }
0xa4: {  	[tilespmem:s25], [sflag:$0x5] =	stream.indirect_vreg.gather [hbm4b:s8+s3], $0x80, v2, vm0, $0xb8;
	[tilespmem:$0x1C000] =	vst v63  }
0xa5: {  	s23 =	rddreg [dreg:$0x17]  }
0xa6: {  	[tilespmem:s23], [sflag:$0x5] =	stream.indirect_vreg.gather [hbm4b:s9+s3], $0x80, v2, vm0, $0xb8;
	[tilespmem:$0x1C000] =	vst v63  }
0xa7: {  	s25 =	rddreg [dreg:$0x18]  }
0xa8: {  	[tilespmem:s25], [sflag:$0x5] =	stream.indirect_vreg.gather [hbm4b:s10+s3], $0x80, v2, vm0, $0xb8;
	[tilespmem:$0x1C000] =	vst v63  }
0xa9: {  	s23 =	rddreg [dreg:$0x19]  }
0xaa: {  	[tilespmem:s23], [sflag:$0x5] =	stream.indirect_vreg.gather [hbm4b:s11+s3], $0x80, v2, vm0, $0xb8;
	[tilespmem:$0x1C000] =	vst v63  }
0xab: {  	s23 =	simm.s32 @!p0 $0xC  }
0xac: {  	_ =	swait.ge @!p0 [sflag:s23], $0x4000  }
0xad: {  	[sflag:s23] =	ssyncset.done @!p0 $0x0  }
0xae: {  	[sflag:s23] =	ssyncadd.s32 @!p0 $0xFFFFC000  }
0xaf: {  	v2 =	vld.msk [tilespmem:s21+$0x100], $0xff;
	_ =	sdelay $0x4  }
0xb0: {  	v3 =	vshll.u32 v2, $0x4  }
0xb1: {  	v2 =	vand.u32 $0x7, v2;
	v3 =	vand.u32 $0xFFFFFF80, v3  }
0xb2: {  	v2 =	vor.u32 v2, v3  }
0xb3: {  	v2 =	vperm.xlane v2, v0;
	_ =	sdelay $0x1  }
0xb4: {  	v2 =	vadd.s32 v1, v2;
	_ =	sdelay $0x3  }
0xb5: {  	s25 =	rddreg [dreg:$0x1b]  }
0xb6: {  	[tilespmem:s13], [sflag:$0x6] =	stream.indirect_vreg.gather [hbm4b:s2+s3], $0x80, v2, vm0, $0xb8;
	[tilespmem:$0x1C000] =	vst v63  }
0xb7: {  	s23 =	rddreg [dreg:$0x1a]  }
0xb8: {  	[tilespmem:s23], [sflag:$0x6] =	stream.indirect_vreg.gather [hbm4b:s5+s3], $0x80, v2, vm0, $0xb8;
	[tilespmem:$0x1C000] =	vst v63  }
0xb9: {  	s23 =	rddreg [dreg:$0x1c]  }
0xba: {  	[tilespmem:s25], [sflag:$0x6] =	stream.indirect_vreg.gather [hbm4b:s6+s3], $0x80, v2, vm0, $0xb8;
	[tilespmem:$0x1C000] =	vst v63  }
0xbb: {  	s25 =	rddreg [dreg:$0x1d]  }
0xbc: {  	[tilespmem:s23], [sflag:$0x6] =	stream.indirect_vreg.gather [hbm4b:s7+s3], $0x80, v2, vm0, $0xb8;
	[tilespmem:$0x1C000] =	vst v63  }
0xbd: {  	s23 =	rddreg [dreg:$0x1e]  }
0xbe: {  	[tilespmem:s25], [sflag:$0x6] =	stream.indirect_vreg.gather [hbm4b:s8+s3], $0x80, v2, vm0, $0xb8;
	[tilespmem:$0x1C000] =	vst v63  }
0xbf: {  	s25 =	rddreg [dreg:$0x1f]  }
0xc0: {  	[tilespmem:s23], [sflag:$0x6] =	stream.indirect_vreg.gather [hbm4b:s9+s3], $0x80, v2, vm0, $0xb8;
	[tilespmem:$0x1C000] =	vst v63  }
0xc1: {  	s23 =	sld [smem:$0x7FD]  }
0xc2: {  	[tilespmem:s25], [sflag:$0x6] =	stream.indirect_vreg.gather [hbm4b:s10+s3], $0x80, v2, vm0, $0xb8;
	[tilespmem:$0x1C000] =	vst v63  }
0xc3: {  	_ = 	snop  }
0xc4: {  	[tilespmem:s23], [sflag:$0x6] =	stream.indirect_vreg.gather [hbm4b:s11+s3], $0x80, v2, vm0, $0xb8;
	[tilespmem:$0x1C000] =	vst v63  }
0xc5: {  	_ =	swait.ge [sflag:s14], $0x4000  }
0xc6: {  	s25 =	rddreg [dreg:$0x4];
	[sflag:s14] =	ssyncset.done $0x0  }
0xc7: {  	[sflag:s14] =	ssyncadd.s32 $0xFFFFC000;
	s23 =	sadd.s32 s22, s25  }
0xc8: {  	[hbm4b:s23+s3] =	stream.linear.scatter [tilespmem:s16], [sflag:$0x7], $0x4000, $0x38;
	[tilespmem:$0x1C000] =	vst v63  }
0xc9: {  	_ =	swait.ge [sflag:s15], $0x4000  }
0xca: {  	[sflag:s15] =	ssyncset.done $0x0  }
0xcb: {  	s25 =	sadd.s32 $0x800, s23;
	[sflag:s15] =	ssyncadd.s32 $0xFFFFC000  }
0xcc: {  	[hbm4b:s25+s3] =	stream.linear.scatter [tilespmem:s24], [sflag:$0x8], $0x4000, $0x38;
	[tilespmem:$0x1C000] =	vst v63  }
0xcd: {  	_ =	swait.ge [sflag:s17], $0x4000  }
0xce: {  	[sflag:s17] =	ssyncset.done $0x0  }
0xcf: {  	s25 =	sadd.s32 $0x1000, s23;
	[sflag:s17] =	ssyncadd.s32 $0xFFFFC000  }
0xd0: {  	[hbm4b:s25+s3] =	stream.linear.scatter [tilespmem:s1], [sflag:$0x9], $0x4000, $0x38;
	[tilespmem:$0x1C000] =	vst v63  }
0xd1: {  	_ =	swait.ge [sflag:s18], $0x4000  }
0xd2: {  	[sflag:s18] =	ssyncset.done $0x0  }
0xd3: {  	s25 =	sadd.s32 $0x1800, s23;
	[sflag:s18] =	ssyncadd.s32 $0xFFFFC000  }
0xd4: {  	[hbm4b:s25+s3] =	stream.linear.scatter [tilespmem:s4], [sflag:$0xA], $0x4000, $0x38;
	[tilespmem:$0x1C000] =	vst v63  }
0xd5: {  	_ =	swait.ge [sflag:s19], $0x4000  }
0xd6: {  	s22 =	sadd.s32 $0x3000, s22;
	[sflag:s19] =	ssyncset.done $0x0  }
0xd7: {  	p0 =	sne.s32 s22, $0x3F000;
	s25 =	sadd.s32 $0x2000, s23;
	[sflag:s19] =	ssyncadd.s32 $0xFFFFC000  }
0xd8: {  	[hbm4b:s25+s3] =	stream.linear.scatter [tilespmem:s12], [sflag:$0xB], $0x4000, $0x38;
	[tilespmem:$0x1C000] =	vst v63  }
.Ltmp0:
0xd9: {  	_ = 	snop;
	(pc) =	sbr.rel @p0 .LBB2_2-.Ltmp0, $4  }
0xda: {  	_ =	swait.ge [sflag:s20], $0x4000  }
0xdb: {  	s21 =	sadd.s32 $0x300, s21;
	[sflag:s20] =	ssyncset.done $0x0  }
0xdc: {  	s23 =	sadd.s32 $0x2800, s23;
	s25 =	simm.s32 $0x4800;
	[sflag:s20] =	ssyncadd.s32 $0xFFFFC000  }
0xdd: {  	[hbm4b:s23+s3] =	stream.linear.scatter [tilespmem:s13], [sflag:$0xC], $0x4000, $0x38;
	[tilespmem:$0x1C000] =	vst v63  }
0xde: {  	s22 =	simm.s32 $0x7  }
0xdf: {  	_ =	swait.ge [sflag:s22], $0x4000  }
0xe0: {  	[sflag:s22] =	ssyncset.done $0x0  }
0xe1: {  	[sflag:s22] =	ssyncadd.s32 $0xFFFFC000  }
0xe2: {  	v2 =	vld.msk [tilespmem:$0x3F00], $0xff;
	_ =	sdelay $0x4  }
0xe3: {  	v3 =	vshll.u32 v2, $0x4  }
0xe4: {  	v2 =	vand.u32 $0x7, v2;
	v3 =	vand.u32 $0xFFFFFF80, v3  }
0xe5: {  	v2 =	vor.u32 v2, v3  }
0xe6: {  	v2 =	vperm.xlane v2, v0;
	_ =	sdelay $0x1  }
0xe7: {  	v2 =	vadd.s32 v1, v2;
	_ =	sdelay $0x4  }
0xe8: {  	[tilespmem:s16], [sflag:$0x1] =	stream.indirect_vreg.gather [hbm4b:s2+s3], $0x80, v2, vm0, $0xb8;
	[tilespmem:$0x1C000] =	vst v63  }
0xe9: {  	_ = 	snop  }
0xea: {  	[tilespmem:s25], [sflag:$0x1] =	stream.indirect_vreg.gather [hbm4b:s5+s3], $0x80, v2, vm0, $0xb8;
	[tilespmem:$0x1C000] =	vst v63  }
0xeb: {  	_ = 	snop  }
0xec: {  	[tilespmem:s26], [sflag:$0x1] =	stream.indirect_vreg.gather [hbm4b:s6+s3], $0x80, v2, vm0, $0xb8;
	[tilespmem:$0x1C000] =	vst v63  }
0xed: {  	_ = 	snop  }
0xee: {  	[tilespmem:s28], [sflag:$0x1] =	stream.indirect_vreg.gather [hbm4b:s7+s3], $0x80, v2, vm0, $0xb8;
	[tilespmem:$0x1C000] =	vst v63  }
0xef: {  	_ = 	snop  }
0xf0: {  	[tilespmem:s29], [sflag:$0x1] =	stream.indirect_vreg.gather [hbm4b:s8+s3], $0x80, v2, vm0, $0xb8;
	[tilespmem:$0x1C000] =	vst v63  }
0xf1: {  	_ = 	snop  }
0xf2: {  	[tilespmem:s30], [sflag:$0x1] =	stream.indirect_vreg.gather [hbm4b:s9+s3], $0x80, v2, vm0, $0xb8;
	[tilespmem:$0x1C000] =	vst v63  }
0xf3: {  	_ = 	snop  }
0xf4: {  	[tilespmem:s31], [sflag:$0x1] =	stream.indirect_vreg.gather [hbm4b:s10+s3], $0x80, v2, vm0, $0xb8;
	[tilespmem:$0x1C000] =	vst v63  }
0xf5: {  	_ = 	snop  }
0xf6: {  	[tilespmem:s0], [sflag:$0x1] =	stream.indirect_vreg.gather [hbm4b:s11+s3], $0x80, v2, vm0, $0xb8;
	[tilespmem:$0x1C000] =	vst v63  }
0xf7: {  	_ =	swait.ge [sflag:s14], $0x4000  }
0xf8: {  	s21 =	sld [smem:$0x7FA]  }
0xf9: {  	[sflag:s14] =	ssyncset.done $0x0  }
0xfa: {  	s0 =	simm.s32 $0x8;
	[sflag:s14] =	ssyncadd.s32 $0xFFFFC000  }
0xfb: {  	[hbm4b:s21+s3] =	stream.linear.scatter [tilespmem:s16], [sflag:$0x7], $0x4000, $0x38;
	[tilespmem:$0x1C000] =	vst v63  }
0xfc: {  	_ =	swait.ge [sflag:s0], $0x4000  }
0xfd: {  	[sflag:s0] =	ssyncset.done $0x0  }
0xfe: {  	[sflag:s0] =	ssyncadd.s32 $0xFFFFC000  }
0xff: {  	v2 =	vld.msk [tilespmem:$0x3F80], $0xff;
	_ =	sdelay $0x4  }
0x100: {  	v3 =	vshll.u32 v2, $0x4  }
0x101: {  	v2 =	vand.u32 $0x7, v2;
	v3 =	vand.u32 $0xFFFFFF80, v3  }
0x102: {  	v2 =	vor.u32 v2, v3  }
0x103: {  	v2 =	vperm.xlane v2, v0;
	_ =	sdelay $0x1  }
0x104: {  	v2 =	vadd.s32 v1, v2;
	_ =	sdelay $0x4  }
0x105: {  	[tilespmem:s24], [sflag:$0x2] =	stream.indirect_vreg.gather [hbm4b:s2+s3], $0x80, v2, vm0, $0xb8;
	[tilespmem:$0x1C000] =	vst v63  }
0x106: {  	s23 =	simm.s32 $0x8800  }
0x107: {  	[tilespmem:s23], [sflag:$0x2] =	stream.indirect_vreg.gather [hbm4b:s5+s3], $0x80, v2, vm0, $0xb8;
	[tilespmem:$0x1C000] =	vst v63  }
0x108: {  	s23 =	simm.s32 $0x9000  }
0x109: {  	[tilespmem:s23], [sflag:$0x2] =	stream.indirect_vreg.gather [hbm4b:s6+s3], $0x80, v2, vm0, $0xb8;
	[tilespmem:$0x1C000] =	vst v63  }
0x10a: {  	s23 =	simm.s32 $0x9800  }
0x10b: {  	[tilespmem:s23], [sflag:$0x2] =	stream.indirect_vreg.gather [hbm4b:s7+s3], $0x80, v2, vm0, $0xb8;
	[tilespmem:$0x1C000] =	vst v63  }
0x10c: {  	s23 =	simm.s32 $0xA000  }
0x10d: {  	[tilespmem:s23], [sflag:$0x2] =	stream.indirect_vreg.gather [hbm4b:s8+s3], $0x80, v2, vm0, $0xb8;
	[tilespmem:$0x1C000] =	vst v63  }
0x10e: {  	s23 =	simm.s32 $0xA800  }
0x10f: {  	[tilespmem:s23], [sflag:$0x2] =	stream.indirect_vreg.gather [hbm4b:s9+s3], $0x80, v2, vm0, $0xb8;
	[tilespmem:$0x1C000] =	vst v63  }
0x110: {  	s23 =	simm.s32 $0xB000  }
0x111: {  	[tilespmem:s23], [sflag:$0x2] =	stream.indirect_vreg.gather [hbm4b:s10+s3], $0x80, v2, vm0, $0xb8;
	[tilespmem:$0x1C000] =	vst v63  }
0x112: {  	s23 =	simm.s32 $0xB800  }
0x113: {  	[tilespmem:s23], [sflag:$0x2] =	stream.indirect_vreg.gather [hbm4b:s11+s3], $0x80, v2, vm0, $0xb8;
	[tilespmem:$0x1C000] =	vst v63  }
0x114: {  	_ =	swait.ge [sflag:s15], $0x4000  }
0x115: {  	s23 =	sld [smem:$0x7FB]  }
0x116: {  	[sflag:s15] =	ssyncset.done $0x0  }
0x117: {  	[sflag:s15] =	ssyncadd.s32 $0xFFFFC000  }
0x118: {  	[hbm4b:s23+s3] =	stream.linear.scatter [tilespmem:s24], [sflag:$0x8], $0x4000, $0x38;
	[tilespmem:$0x1C000] =	vst v63  }
0x119: {  	_ =	swait.ge [sflag:s22], $0x4000  }
0x11a: {  	[sflag:s22] =	ssyncset.done $0x0  }
0x11b: {  	[sflag:s22] =	ssyncadd.s32 $0xFFFFC000  }
0x11c: {  	_ =	swait.ge [sflag:s0], $0x4000  }
0x11d: {  	[sflag:s0] =	ssyncset.done $0x0  }
0x11e: {  	s21 =	simm.s32 $0x9;
	[sflag:s0] =	ssyncadd.s32 $0xFFFFC000  }
0x11f: {  	_ =	swait.ge [sflag:s21], $0x4000  }
0x120: {  	[sflag:s21] =	ssyncset.done $0x0  }
0x121: {  	s22 =	simm.s32 $0xA;
	[sflag:s21] =	ssyncadd.s32 $0xFFFFC000  }
0x122: {  	_ =	swait.ge [sflag:s22], $0x4000  }
0x123: {  	[sflag:s22] =	ssyncset.done $0x0  }
0x124: {  	s23 =	simm.s32 $0xB;
	[sflag:s22] =	ssyncadd.s32 $0xFFFFC000  }
0x125: {  	_ =	swait.ge [sflag:s23], $0x4000  }
0x126: {  	[sflag:s23] =	ssyncset.done $0x0  }
0x127: {  	s0 =	simm.s32 $0xC;
	[sflag:s23] =	ssyncadd.s32 $0xFFFFC000  }
0x128: {  	_ =	swait.ge [sflag:s0], $0x4000  }
0x129: {  	s21 =	sld [smem:$0x7F8]  }
0x12a: {  	s23 =	sld [smem:$0x7FC];
	_ =	sdelay $0x1  }
0x12b: {  	s22 =	sadd.s32 $0x1, s21  }
0x12c: {  	p0 =	sne.s32 s22, s23  }
.Ltmp1:
0x12d: {  	_ = 	snop;
	(pc) =	sbr.rel @p0 .LBB2_1-.Ltmp1, $3  }
0x12e: {  	_ =	sdelay $0x1  }
0x12f: {  	[sflag:s0] =	ssyncset.done $0x0  }
0x130: {  	[sflag:s0] =	ssyncadd.s32 $0xFFFFC000  }
0x131: {  	_ =	sfence.sel $0x180000  }
0x132: {  	[bflag:$0x0] =	sbarrier.arrive $0xFFFF  }
0x133: {  	_ =	strace $0x90000047  }
0x134: {  	s0 =	stileid.u32;
	[bflag:$0x2] =	sbarrier.arrive $0xFFFF  }
0x135: {  	p0 =	sne.s32 s0, $0x0;
	s0 =	rddreg [dreg:$0x3]  }
0x136: {  	s0 =	sadd.s32 @!p0 $0x100000, s0  }
0x137: {  	[sflag:s0] =	ssyncadd.tile.s32 @!p0 $0x1;
	_ =	shalt  }
.Lfunc_end2:
_tile_overlayer_lowered:
.L_overlay_start_2:
0x138: {  	(tag) =	ssettag $0x2  }
0x139: {  	s0 =	rddreg [dreg:$0x0];
	s2 =	stileid.u32  }
0x13a: {  	s1 =	rddreg [dreg:$0x1];
	p0 =	sne.s32 s2, $0x0  }
0x13b: {  	s3 =	rddreg [dreg:$0x2];
	[bflag:$0x3] =	sbarrier.arrive $0xFFFF;
	s2 =	simm.s32 @!p0 $0x1C0D  }
0x13c: {  	[timem:s3], [sflag:s2] =	dma.local @!p0 [hbm:s0], s1  }
0x13d: {  	s0 =	simm.s32 @!p0 $0xD  }
0x13e: {  	_ =	swait.ge @!p0 [sflag:s0], s1  }
0x13f: {  	s1 =	ssub.s32 @!p0 $0x0, s1;
	[sflag:s0] =	ssyncset.done @!p0 $0x0  }
0x140: {  	[sflag:s0] =	ssyncadd.s32 @!p0 s1  }
0x141: {  	[bflag:$0x3] =	sbarrier.arrive $0xFFFF  }
0x142: {  	_ =	shalt  }

</sc_bundles>
